<compile_context>
chip_gen: v7x
topology: tpu7x:2x2x1
jax: 0.10.2.dev20260603
libtpu: 0.0.44.dev20260713+nightly
codegen_flags: <defaults>
</compile_context>

<pallas_src>
import functools
import math

import jax
import jax.numpy as jnp
from jax import lax
from jax.experimental import pallas as pl
from jax.experimental.pallas import tpu as pltpu
from jax.experimental.pallas import tpu_sc as plsc

V = 8192
D = 1024
B = 4
S = 2048
N = B * S
BLK = 512
RT = N // BLK
BPS = S // BLK
LOGV = math.log(float(V))
SENS = 0.5
MIN_RATIO = 0.25
BASE_RATIO = 1.0
NCH_V = 8
CW = V // NCH_V
NCH = NCH_V

_NW = 32
_ROWS_PER_W = N // _NW
_CHUNK = 32
_NCH = _ROWS_PER_W // _CHUNK


def _sc_gather(emb, ids_flat):
    mesh = plsc.VectorSubcoreMesh(core_axis_name="c", subcore_axis_name="s")

    @functools.partial(
        pl.kernel,
        mesh=mesh,
        out_type=jax.ShapeDtypeStruct((N, D), jnp.float32),
        scratch_types=[
            pltpu.VMEM((_ROWS_PER_W,), jnp.int32),
            pltpu.VMEM((_CHUNK, D), jnp.float32),
            pltpu.VMEM((_CHUNK, D), jnp.float32),
            pltpu.SemaphoreType.DMA,
            pltpu.SemaphoreType.DMA,
            pltpu.SemaphoreType.DMA,
            pltpu.SemaphoreType.DMA,
        ],
    )
    def gather_kernel(table_hbm, idx_hbm, out_hbm, idx_v, rows0, rows1,
                      gs0, gs1, ws0, ws1):
        wid = lax.axis_index("s") * 2 + lax.axis_index("c")
        base = wid * _ROWS_PER_W
        pltpu.sync_copy(idx_hbm.at[pl.ds(base, _ROWS_PER_W)], idx_v)
        bufs, gsems, wsems = (rows0, rows1), (gs0, gs1), (ws0, ws1)
        gathers = [None, None]
        writebacks = [None, None]
        gathers[0] = pltpu.async_copy(
            table_hbm.at[idx_v.at[pl.ds(0, _CHUNK)]], bufs[0], gsems[0]
        )
        for ch in range(_NCH):
            pb = ch % 2
            nxt = ch + 1
            if nxt < _NCH:
                nb = nxt % 2
                if writebacks[nb] is not None:
                    writebacks[nb].wait()
                    writebacks[nb] = None
                gathers[nb] = pltpu.async_copy(
                    table_hbm.at[idx_v.at[pl.ds(nxt * _CHUNK, _CHUNK)]],
                    bufs[nb], gsems[nb],
                )
            gathers[pb].wait()
            writebacks[pb] = pltpu.async_copy(
                bufs[pb], out_hbm.at[pl.ds(base + ch * _CHUNK, _CHUNK)], wsems[pb]
            )
        for wb in writebacks:
            if wb is not None:
                wb.wait()

    return gather_kernel(emb, ids_flat)


def _tc_body(labc_ref, labn_ref, h_ref, w_ref, out_ref, diffv, nllv, confv):
    r = pl.program_id(0)

    @pl.when(r == 0)
    def _init():
        diffv[...] = jnp.zeros((B, BLK, 1), jnp.float32)
        nllv[...] = jnp.zeros((B, BLK, 1), jnp.float32)
        confv[...] = jnp.zeros((BLK, 1), jnp.float32)

    labs = jnp.concatenate([labc_ref[0, 1:, :], labn_ref[0, :1, :]], axis=0)

    h = h_ref[...]
    z = jnp.zeros((BLK, 1), jnp.float32)
    a = jnp.zeros((BLK, 1), jnp.float32)
    mx = jnp.full((BLK, 1), -jnp.inf, jnp.float32)
    lab_logit = jnp.zeros((BLK, 1), jnp.float32)
    for c0 in range(0, NCH, 2):
        lcs = [
            jnp.dot(h, w_ref[:, c * CW:(c + 1) * CW],
                    preferred_element_type=jnp.float32)
            for c in (c0, c0 + 1)
        ]
        for c, lc in zip((c0, c0 + 1), lcs):
            e = jnp.exp(lc)
            z = z + jnp.sum(e, axis=1, keepdims=True)
            a = a + jnp.sum(e * lc, axis=1, keepdims=True)
            mx = jnp.maximum(mx, jnp.max(lc, axis=1, keepdims=True))
            col = c * CW + lax.broadcasted_iota(jnp.int32, (BLK, CW), 1)
            lab_logit = lab_logit + jnp.sum(
                jnp.where(col == labs, lc, 0.0), axis=1, keepdims=True
            )
    lse = jnp.log(z)
    conf = jnp.exp(mx - lse)
    ent = lse - a / z
    diff = (1.0 - conf) + ent * (1.0 / LOGV)
    i_loc = lax.broadcasted_iota(jnp.int32, (BLK, 1), 0)
    s_pos = (r % BPS) * BLK + i_loc
    nll = jnp.where(s_pos != (S - 1), lse - lab_logit, 0.0)

    b = r // BPS
    diffv[b, :, :] = diffv[b, :, :] + diff
    nllv[b, :, :] = nllv[b, :, :] + nll
    confv[...] = confv[...] + conf

    @pl.when(r == RT - 1)
    def _fin():
        avg_conf = jnp.sum(confv[...]) / float(N)
        ratio = jnp.clip(BASE_RATIO + SENS * (0.5 - avg_conf), MIN_RATIO, 1.0)
        k = jnp.maximum(1, jnp.floor(float(B) * ratio).astype(jnp.int32))
        d = [jnp.sum(diffv[i, :, :]) for i in range(B)]
        nl = [jnp.sum(nllv[i, :, :]) for i in range(B)]
        total = jnp.float32(0.0)
        for i in range(B):
            rank = jnp.int32(0)
            for j in range(B):
                if j == i:
                    continue
                ahead = jnp.logical_or(
                    d[j] > d[i], jnp.logical_and(d[j] == d[i], j < i)
                )
                rank = rank + ahead.astype(jnp.int32)
            total = total + jnp.where(rank < k, nl[i], 0.0)
        out_ref[0] = total / (k.astype(jnp.float32) * float(S - 1))


def _tc_fused(h, w, labs3d, interpret=False):
    return pl.pallas_call(
        _tc_body,
        grid=(RT,),
        in_specs=[
            pl.BlockSpec((1, BLK, 1), lambda r: (r, 0, 0)),
            pl.BlockSpec((1, BLK, 1), lambda r: (jnp.minimum(r + 1, RT - 1), 0, 0)),
            pl.BlockSpec((BLK, D), lambda r: (r, 0)),
            pl.BlockSpec((D, V), lambda r: (0, 0)),
        ],
        out_specs=pl.BlockSpec(memory_space=pltpu.SMEM),
        out_shape=jax.ShapeDtypeStruct((1,), jnp.float32),
        scratch_shapes=[
            pltpu.VMEM((B, BLK, 1), jnp.float32),
            pltpu.VMEM((B, BLK, 1), jnp.float32),
            pltpu.VMEM((BLK, 1), jnp.float32),
        ],
        compiler_params=pltpu.CompilerParams(
            vmem_limit_bytes=100 * 1024 * 1024,
        ),
        interpret=interpret,
    )(labs3d, labs3d, h, w)


def kernel(input_ids, labels, emb, W_out):
    ids_flat = input_ids.reshape(-1)
    h = _sc_gather(emb, ids_flat)
    labs3d = labels.reshape(RT, BLK, 1)
    loss = _tc_fused(h, W_out, labs3d)
    return loss[0]

# --- scband reference (transcript-rebuilt; emitter-appended) ---
"""Pipeline reference for scband-cggrmodel-17806934409447 (READ-ONLY COPY).

The authoritative reference and input builder live on the scoring server;
editing this copy changes nothing except your own understanding.
"""

import jax, jax.numpy as jnp
import numpy as np

V = 8192
D = 1024
B = 4
S = 2048
MIN_RATIO = 0.25
WARMUP = 1000
SENS = 0.5
STEP = 0  # fresh step_count buffer


def fused_difficulty_score(logits):
    logp = jax.nn.log_softmax(logits, axis=-1)
    p = jnp.exp(logp)
    confidence = jnp.max(p, axis=-1)
    entropy = -jnp.sum(p * logp, axis=-1)
    difficulty = (1.0 - confidence) + entropy / jnp.log(float(logits.shape[-1]))
    return difficulty, confidence, entropy


def compute_dynamic_threshold(conf_flat, base_ratio, sensitivity):
    avg_conf = jnp.mean(conf_flat)
    ratio = jnp.clip(base_ratio + sensitivity * (0.5 - avg_conf), MIN_RATIO, 1.0)
    return ratio


def select_tokens_topk(difficulty, ratio):
    flat = difficulty.reshape(-1)
    n = flat.shape[0]
    k = jnp.maximum(1, jnp.floor(n * ratio).astype(jnp.int32))
    vals, _ = jax.lax.top_k(flat, n)
    thresh = jnp.take(vals, k - 1)
    return (flat >= thresh).astype(jnp.float32).reshape(difficulty.shape)


def lm_forward(input_ids, emb, W_out):
    h = jnp.take(emb, input_ids, axis=0)
    return h @ W_out


def cross_entropy(logits_flat, labels_flat):
    logp = jax.nn.log_softmax(logits_flat, axis=-1)
    nll = -jnp.take_along_axis(logp, labels_flat[:, None], axis=1)[:, 0]
    return jnp.mean(nll)


def setup_inputs(seed: int = 0):
    key = jax.random.key(seed)
    k1, k2, k3, k4 = jax.random.split(key, 4)
    input_ids = jax.random.randint(k1, (B, S), 0, V, dtype=jnp.int32)
    labels = jax.random.randint(k2, (B, S), 0, V, dtype=jnp.int32)
    emb = jax.random.normal(k3, (V, D), dtype=jnp.float32) * 0.02
    W_out = jax.random.normal(k4, (D, V), dtype=jnp.float32) * 0.02
    return {"input_ids": input_ids, "labels": labels, "emb": emb, "W_out": W_out}


def reference(input_ids, labels, emb, W_out):
    batch_size, seq_len = input_ids.shape
    # Pass 1: router (= main model, no grad) difficulty scoring
    logits = lm_forward(input_ids, emb, W_out)
    difficulty, confidence, entropy = fused_difficulty_score(logits)
    progress = min(1.0, STEP / WARMUP) if WARMUP > 0 else 1.0
    base_ratio = 1.0 - progress * (1.0 - MIN_RATIO)
    current_ratio = compute_dynamic_threshold(confidence.reshape(-1), base_ratio, SENS)
    mask = select_tokens_topk(difficulty, current_ratio)
    hard_mask = mask.reshape(batch_size, seq_len) > 0.5
    tokens_selected = jnp.sum(hard_mask)
    # Pass 2: main model on hardest sequences
    seq_difficulty = jnp.mean(difficulty, axis=-1)
    k = jnp.maximum(1, jnp.floor(batch_size * current_ratio).astype(jnp.int32))
    _, hard_seq_indices = jax.lax.top_k(seq_difficulty, batch_size)
    hard_input_ids = jnp.take(input_ids, hard_seq_indices, axis=0)
    hard_labels = jnp.take(labels, hard_seq_indices, axis=0)
    hard_logits = lm_forward(hard_input_ids, emb, W_out)
    logp = jax.nn.log_softmax(hard_logits[:, :-1, :], axis=-1)
    nll = -jnp.take_along_axis(logp, hard_labels[:, 1:, None], axis=2)[:, :, 0]
    row_mask = jnp.arange(batch_size) < k
    count = k.astype(jnp.float32) * (seq_len - 1)
    loss = jnp.sum(jnp.where(row_mask[:, None], nll, 0.0)) / count
    return loss


if False:  # reference __main__ guard neutralized (emitter)
    out = reference(**setup_inputs())
    print(out)

if __name__ == "__main__":
    import jax
    _d = setup_inputs()
    print(jax.jit(kernel)(*tuple(_d.values())))

</pallas_src>

<mosaic_0001>
#map = affine_map<(d0, d1) -> (0, 0)>
#map1 = affine_map<(d0, d1) -> (0)>
module attributes {stable_mosaic.version = 14 : i64} {
  func.func @gather_kernel(%arg0: i32, %arg1: i32, %arg2: memref<8192x1024xf32, #tpu.memory_space<hbm>>, %arg3: memref<8192xi32, #tpu.memory_space<hbm>>, %arg4: memref<8192x1024xf32, #tpu.memory_space<hbm>>, %arg5: memref<256xi32, #tpu.memory_space<vmem>>, %arg6: memref<32x1024xf32, #tpu.memory_space<vmem>>, %arg7: memref<32x1024xf32, #tpu.memory_space<vmem>>, %arg8: memref<!tpu.dma_semaphore, #tpu.memory_space<semaphore_mem>>, %arg9: memref<!tpu.dma_semaphore, #tpu.memory_space<semaphore_mem>>, %arg10: memref<!tpu.dma_semaphore, #tpu.memory_space<semaphore_mem>>, %arg11: memref<!tpu.dma_semaphore, #tpu.memory_space<semaphore_mem>>) attributes {dimension_semantics = [#tpu.dimension_semantics<core_parallel>, #tpu.dimension_semantics<subcore_parallel>], iteration_bounds = array<i64: 2, 16>, scalar_prefetch = 0 : i64, scratch_operands = 7 : i64, tpu.core_type = #tpu.core_type<sc_vector_subcore>, window_params = [{transform_indices = #map}, {transform_indices = #map1}, {transform_indices = #map}]} {
    %mul3A = arith.constant 2 : i32
    %mul3A_0 = arith.muli %arg1, %mul3A : i32
    %add3A = arith.addi %mul3A_0, %arg0 : i32
    %mul3A_1 = arith.constant 256 : i32
    %mul3A_2 = arith.muli %add3A, %mul3A_1 : i32
    "tpu.region"() ({
      %run_scoped3A = tpu.sem_alloc : memref<!tpu.dma_semaphore, #tpu.memory_space<semaphore_mem>>
      %dma_start3A_161 = tpu.memref_slice %arg3[%mul3A_2] : memref<8192xi32, #tpu.memory_space<hbm>> -> memref<256xi32, #tpu.memory_space<hbm>>
      %dma_start3A_162 = tpu.memref_slice %arg3[%mul3A_2] : memref<8192xi32, #tpu.memory_space<hbm>> -> memref<256xi32, #tpu.memory_space<hbm>>
      tpu.enqueue_dma source(%dma_start3A_162 : memref<256xi32, #tpu.memory_space<hbm>>) target(%arg5 : memref<256xi32, #tpu.memory_space<vmem>>) target_semaphore(%run_scoped3A : memref<!tpu.dma_semaphore, #tpu.memory_space<semaphore_mem>>)
      %dma_wait3A_163 = tpu.memref_slice %arg3[%mul3A_2] : memref<8192xi32, #tpu.memory_space<hbm>> -> memref<256xi32, #tpu.memory_space<hbm>>
      %dma_wait3A_164 = tpu.memref_slice %arg3[%mul3A_2] : memref<8192xi32, #tpu.memory_space<hbm>> -> memref<256xi32, #tpu.memory_space<hbm>>
      tpu.wait_dma2 semaphore(%run_scoped3A : memref<!tpu.dma_semaphore, #tpu.memory_space<semaphore_mem>>) src(%dma_wait3A_164 : memref<256xi32, #tpu.memory_space<hbm>>) dst(%arg5 : memref<256xi32, #tpu.memory_space<vmem>>)
      tpu.yield
    }) : () -> ()
    %dma_start3A = arith.constant 0 : i32
    %dma_start3A_3 = tpu.memref_slice %arg5[%dma_start3A] : memref<256xi32, #tpu.memory_space<vmem>> -> memref<32xi32, #tpu.memory_space<vmem>>
    %dma_start3A_4 = arith.constant 0 : i32
    %dma_start3A_5 = arith.constant 0 : i32
    %dma_start3A_6 = tpu.memref_slice %arg2[%dma_start3A_4, %dma_start3A_5] : memref<8192x1024xf32, #tpu.memory_space<hbm>> -> memref<8192x1024xf32, #tpu.memory_space<hbm>>
    tpu.enqueue_indirect_dma source(%dma_start3A_6 : memref<8192x1024xf32, #tpu.memory_space<hbm>>) target(%arg6 : memref<32x1024xf32, #tpu.memory_space<vmem>>) offsets(%dma_start3A_3 : memref<32xi32, #tpu.memory_space<vmem>>) semaphore(%arg8 : memref<!tpu.dma_semaphore, #tpu.memory_space<semaphore_mem>>)
    %dma_start3A_7 = arith.constant 32 : i32
    %dma_start3A_8 = tpu.memref_slice %arg5[%dma_start3A_7] : memref<256xi32, #tpu.memory_space<vmem>> -> memref<32xi32, #tpu.memory_space<vmem>>
    %dma_start3A_9 = arith.constant 0 : i32
    %dma_start3A_10 = arith.constant 0 : i32
    %dma_start3A_11 = tpu.memref_slice %arg2[%dma_start3A_9, %dma_start3A_10] : memref<8192x1024xf32, #tpu.memory_space<hbm>> -> memref<8192x1024xf32, #tpu.memory_space<hbm>>
    tpu.enqueue_indirect_dma source(%dma_start3A_11 : memref<8192x1024xf32, #tpu.memory_space<hbm>>) target(%arg7 : memref<32x1024xf32, #tpu.memory_space<vmem>>) offsets(%dma_start3A_8 : memref<32xi32, #tpu.memory_space<vmem>>) semaphore(%arg9 : memref<!tpu.dma_semaphore, #tpu.memory_space<semaphore_mem>>)
    %dma_wait3A = arith.constant 0 : i32
    %dma_wait3A_12 = tpu.memref_slice %arg5[%dma_wait3A] : memref<256xi32, #tpu.memory_space<vmem>> -> memref<32xi32, #tpu.memory_space<vmem>>
    %dma_wait3A_13 = arith.constant 0 : i32
    %dma_wait3A_14 = arith.constant 0 : i32
    %dma_wait3A_15 = tpu.memref_slice %arg2[%dma_wait3A_13, %dma_wait3A_14] : memref<8192x1024xf32, #tpu.memory_space<hbm>> -> memref<8192x1024xf32, #tpu.memory_space<hbm>>
    tpu.wait_indirect_dma semaphore(%arg8 : memref<!tpu.dma_semaphore, #tpu.memory_space<semaphore_mem>>) src(%dma_wait3A_15 : memref<8192x1024xf32, #tpu.memory_space<hbm>>) dst(%arg6 : memref<32x1024xf32, #tpu.memory_space<vmem>>)
    %add3A_16 = arith.constant 0 : i32
    %add3A_17 = arith.addi %mul3A_2, %add3A_16 : i32
    %dma_start3A_18 = arith.constant 0 : i32
    %dma_start3A_19 = tpu.memref_slice %arg4[%add3A_17, %dma_start3A_18] : memref<8192x1024xf32, #tpu.memory_space<hbm>> -> memref<32x1024xf32, #tpu.memory_space<hbm>>
    %dma_start3A_20 = arith.constant 0 : i32
    %dma_start3A_21 = tpu.memref_slice %arg4[%add3A_17, %dma_start3A_20] : memref<8192x1024xf32, #tpu.memory_space<hbm>> -> memref<32x1024xf32, #tpu.memory_space<hbm>>
    tpu.enqueue_dma source(%arg6 : memref<32x1024xf32, #tpu.memory_space<vmem>>) target(%dma_start3A_21 : memref<32x1024xf32, #tpu.memory_space<hbm>>) target_semaphore(%arg10 : memref<!tpu.dma_semaphore, #tpu.memory_space<semaphore_mem>>)
    %dma_wait3A_22 = arith.constant 0 : i32
    %dma_wait3A_23 = tpu.memref_slice %arg4[%add3A_17, %dma_wait3A_22] : memref<8192x1024xf32, #tpu.memory_space<hbm>> -> memref<32x1024xf32, #tpu.memory_space<hbm>>
    %dma_wait3A_24 = arith.constant 0 : i32
    %dma_wait3A_25 = tpu.memref_slice %arg4[%add3A_17, %dma_wait3A_24] : memref<8192x1024xf32, #tpu.memory_space<hbm>> -> memref<32x1024xf32, #tpu.memory_space<hbm>>
    tpu.wait_dma2 semaphore(%arg10 : memref<!tpu.dma_semaphore, #tpu.memory_space<semaphore_mem>>) src(%arg6 : memref<32x1024xf32, #tpu.memory_space<vmem>>) dst(%dma_wait3A_25 : memref<32x1024xf32, #tpu.memory_space<hbm>>)
    %dma_start3A_26 = arith.constant 64 : i32
    %dma_start3A_27 = tpu.memref_slice %arg5[%dma_start3A_26] : memref<256xi32, #tpu.memory_space<vmem>> -> memref<32xi32, #tpu.memory_space<vmem>>
    %dma_start3A_28 = arith.constant 0 : i32
    %dma_start3A_29 = arith.constant 0 : i32
    %dma_start3A_30 = tpu.memref_slice %arg2[%dma_start3A_28, %dma_start3A_29] : memref<8192x1024xf32, #tpu.memory_space<hbm>> -> memref<8192x1024xf32, #tpu.memory_space<hbm>>
    tpu.enqueue_indirect_dma source(%dma_start3A_30 : memref<8192x1024xf32, #tpu.memory_space<hbm>>) target(%arg6 : memref<32x1024xf32, #tpu.memory_space<vmem>>) offsets(%dma_start3A_27 : memref<32xi32, #tpu.memory_space<vmem>>) semaphore(%arg8 : memref<!tpu.dma_semaphore, #tpu.memory_space<semaphore_mem>>)
    %dma_wait3A_31 = arith.constant 32 : i32
    %dma_wait3A_32 = tpu.memref_slice %arg5[%dma_wait3A_31] : memref<256xi32, #tpu.memory_space<vmem>> -> memref<32xi32, #tpu.memory_space<vmem>>
    %dma_wait3A_33 = arith.constant 0 : i32
    %dma_wait3A_34 = arith.constant 0 : i32
    %dma_wait3A_35 = tpu.memref_slice %arg2[%dma_wait3A_33, %dma_wait3A_34] : memref<8192x1024xf32, #tpu.memory_space<hbm>> -> memref<8192x1024xf32, #tpu.memory_space<hbm>>
    tpu.wait_indirect_dma semaphore(%arg9 : memref<!tpu.dma_semaphore, #tpu.memory_space<semaphore_mem>>) src(%dma_wait3A_35 : memref<8192x1024xf32, #tpu.memory_space<hbm>>) dst(%arg7 : memref<32x1024xf32, #tpu.memory_space<vmem>>)
    %add3A_36 = arith.constant 32 : i32
    %add3A_37 = arith.addi %mul3A_2, %add3A_36 : i32
    %dma_start3A_38 = arith.constant 0 : i32
    %dma_start3A_39 = tpu.memref_slice %arg4[%add3A_37, %dma_start3A_38] : memref<8192x1024xf32, #tpu.memory_space<hbm>> -> memref<32x1024xf32, #tpu.memory_space<hbm>>
    %dma_start3A_40 = arith.constant 0 : i32
    %dma_start3A_41 = tpu.memref_slice %arg4[%add3A_37, %dma_start3A_40] : memref<8192x1024xf32, #tpu.memory_space<hbm>> -> memref<32x1024xf32, #tpu.memory_space<hbm>>
    tpu.enqueue_dma source(%arg7 : memref<32x1024xf32, #tpu.memory_space<vmem>>) target(%dma_start3A_41 : memref<32x1024xf32, #tpu.memory_space<hbm>>) target_semaphore(%arg11 : memref<!tpu.dma_semaphore, #tpu.memory_space<semaphore_mem>>)
    %dma_wait3A_42 = arith.constant 0 : i32
    %dma_wait3A_43 = tpu.memref_slice %arg4[%add3A_37, %dma_wait3A_42] : memref<8192x1024xf32, #tpu.memory_space<hbm>> -> memref<32x1024xf32, #tpu.memory_space<hbm>>
    %dma_wait3A_44 = arith.constant 0 : i32
    %dma_wait3A_45 = tpu.memref_slice %arg4[%add3A_37, %dma_wait3A_44] : memref<8192x1024xf32, #tpu.memory_space<hbm>> -> memref<32x1024xf32, #tpu.memory_space<hbm>>
    tpu.wait_dma2 semaphore(%arg11 : memref<!tpu.dma_semaphore, #tpu.memory_space<semaphore_mem>>) src(%arg7 : memref<32x1024xf32, #tpu.memory_space<vmem>>) dst(%dma_wait3A_45 : memref<32x1024xf32, #tpu.memory_space<hbm>>)
    %dma_start3A_46 = arith.constant 96 : i32
    %dma_start3A_47 = tpu.memref_slice %arg5[%dma_start3A_46] : memref<256xi32, #tpu.memory_space<vmem>> -> memref<32xi32, #tpu.memory_space<vmem>>
    %dma_start3A_48 = arith.constant 0 : i32
    %dma_start3A_49 = arith.constant 0 : i32
    %dma_start3A_50 = tpu.memref_slice %arg2[%dma_start3A_48, %dma_start3A_49] : memref<8192x1024xf32, #tpu.memory_space<hbm>> -> memref<8192x1024xf32, #tpu.memory_space<hbm>>
    tpu.enqueue_indirect_dma source(%dma_start3A_50 : memref<8192x1024xf32, #tpu.memory_space<hbm>>) target(%arg7 : memref<32x1024xf32, #tpu.memory_space<vmem>>) offsets(%dma_start3A_47 : memref<32xi32, #tpu.memory_space<vmem>>) semaphore(%arg9 : memref<!tpu.dma_semaphore, #tpu.memory_space<semaphore_mem>>)
    %dma_wait3A_51 = arith.constant 64 : i32
    %dma_wait3A_52 = tpu.memref_slice %arg5[%dma_wait3A_51] : memref<256xi32, #tpu.memory_space<vmem>> -> memref<32xi32, #tpu.memory_space<vmem>>
    %dma_wait3A_53 = arith.constant 0 : i32
    %dma_wait3A_54 = arith.constant 0 : i32
    %dma_wait3A_55 = tpu.memref_slice %arg2[%dma_wait3A_53, %dma_wait3A_54] : memref<8192x1024xf32, #tpu.memory_space<hbm>> -> memref<8192x1024xf32, #tpu.memory_space<hbm>>
    tpu.wait_indirect_dma semaphore(%arg8 : memref<!tpu.dma_semaphore, #tpu.memory_space<semaphore_mem>>) src(%dma_wait3A_55 : memref<8192x1024xf32, #tpu.memory_space<hbm>>) dst(%arg6 : memref<32x1024xf32, #tpu.memory_space<vmem>>)
    %add3A_56 = arith.constant 64 : i32
    %add3A_57 = arith.addi %mul3A_2, %add3A_56 : i32
    %dma_start3A_58 = arith.constant 0 : i32
    %dma_start3A_59 = tpu.memref_slice %arg4[%add3A_57, %dma_start3A_58] : memref<8192x1024xf32, #tpu.memory_space<hbm>> -> memref<32x1024xf32, #tpu.memory_space<hbm>>
    %dma_start3A_60 = arith.constant 0 : i32
    %dma_start3A_61 = tpu.memref_slice %arg4[%add3A_57, %dma_start3A_60] : memref<8192x1024xf32, #tpu.memory_space<hbm>> -> memref<32x1024xf32, #tpu.memory_space<hbm>>
    tpu.enqueue_dma source(%arg6 : memref<32x1024xf32, #tpu.memory_space<vmem>>) target(%dma_start3A_61 : memref<32x1024xf32, #tpu.memory_space<hbm>>) target_semaphore(%arg10 : memref<!tpu.dma_semaphore, #tpu.memory_space<semaphore_mem>>)
    %dma_wait3A_62 = arith.constant 0 : i32
    %dma_wait3A_63 = tpu.memref_slice %arg4[%add3A_57, %dma_wait3A_62] : memref<8192x1024xf32, #tpu.memory_space<hbm>> -> memref<32x1024xf32, #tpu.memory_space<hbm>>
    %dma_wait3A_64 = arith.constant 0 : i32
    %dma_wait3A_65 = tpu.memref_slice %arg4[%add3A_57, %dma_wait3A_64] : memref<8192x1024xf32, #tpu.memory_space<hbm>> -> memref<32x1024xf32, #tpu.memory_space<hbm>>
    tpu.wait_dma2 semaphore(%arg10 : memref<!tpu.dma_semaphore, #tpu.memory_space<semaphore_mem>>) src(%arg6 : memref<32x1024xf32, #tpu.memory_space<vmem>>) dst(%dma_wait3A_65 : memref<32x1024xf32, #tpu.memory_space<hbm>>)
    %dma_start3A_66 = arith.constant 128 : i32
    %dma_start3A_67 = tpu.memref_slice %arg5[%dma_start3A_66] : memref<256xi32, #tpu.memory_space<vmem>> -> memref<32xi32, #tpu.memory_space<vmem>>
    %dma_start3A_68 = arith.constant 0 : i32
    %dma_start3A_69 = arith.constant 0 : i32
    %dma_start3A_70 = tpu.memref_slice %arg2[%dma_start3A_68, %dma_start3A_69] : memref<8192x1024xf32, #tpu.memory_space<hbm>> -> memref<8192x1024xf32, #tpu.memory_space<hbm>>
    tpu.enqueue_indirect_dma source(%dma_start3A_70 : memref<8192x1024xf32, #tpu.memory_space<hbm>>) target(%arg6 : memref<32x1024xf32, #tpu.memory_space<vmem>>) offsets(%dma_start3A_67 : memref<32xi32, #tpu.memory_space<vmem>>) semaphore(%arg8 : memref<!tpu.dma_semaphore, #tpu.memory_space<semaphore_mem>>)
    %dma_wait3A_71 = arith.constant 96 : i32
    %dma_wait3A_72 = tpu.memref_slice %arg5[%dma_wait3A_71] : memref<256xi32, #tpu.memory_space<vmem>> -> memref<32xi32, #tpu.memory_space<vmem>>
    %dma_wait3A_73 = arith.constant 0 : i32
    %dma_wait3A_74 = arith.constant 0 : i32
    %dma_wait3A_75 = tpu.memref_slice %arg2[%dma_wait3A_73, %dma_wait3A_74] : memref<8192x1024xf32, #tpu.memory_space<hbm>> -> memref<8192x1024xf32, #tpu.memory_space<hbm>>
    tpu.wait_indirect_dma semaphore(%arg9 : memref<!tpu.dma_semaphore, #tpu.memory_space<semaphore_mem>>) src(%dma_wait3A_75 : memref<8192x1024xf32, #tpu.memory_space<hbm>>) dst(%arg7 : memref<32x1024xf32, #tpu.memory_space<vmem>>)
    %add3A_76 = arith.constant 96 : i32
    %add3A_77 = arith.addi %mul3A_2, %add3A_76 : i32
    %dma_start3A_78 = arith.constant 0 : i32
    %dma_start3A_79 = tpu.memref_slice %arg4[%add3A_77, %dma_start3A_78] : memref<8192x1024xf32, #tpu.memory_space<hbm>> -> memref<32x1024xf32, #tpu.memory_space<hbm>>
    %dma_start3A_80 = arith.constant 0 : i32
    %dma_start3A_81 = tpu.memref_slice %arg4[%add3A_77, %dma_start3A_80] : memref<8192x1024xf32, #tpu.memory_space<hbm>> -> memref<32x1024xf32, #tpu.memory_space<hbm>>
    tpu.enqueue_dma source(%arg7 : memref<32x1024xf32, #tpu.memory_space<vmem>>) target(%dma_start3A_81 : memref<32x1024xf32, #tpu.memory_space<hbm>>) target_semaphore(%arg11 : memref<!tpu.dma_semaphore, #tpu.memory_space<semaphore_mem>>)
    %dma_wait3A_82 = arith.constant 0 : i32
    %dma_wait3A_83 = tpu.memref_slice %arg4[%add3A_77, %dma_wait3A_82] : memref<8192x1024xf32, #tpu.memory_space<hbm>> -> memref<32x1024xf32, #tpu.memory_space<hbm>>
    %dma_wait3A_84 = arith.constant 0 : i32
    %dma_wait3A_85 = tpu.memref_slice %arg4[%add3A_77, %dma_wait3A_84] : memref<8192x1024xf32, #tpu.memory_space<hbm>> -> memref<32x1024xf32, #tpu.memory_space<hbm>>
    tpu.wait_dma2 semaphore(%arg11 : memref<!tpu.dma_semaphore, #tpu.memory_space<semaphore_mem>>) src(%arg7 : memref<32x1024xf32, #tpu.memory_space<vmem>>) dst(%dma_wait3A_85 : memref<32x1024xf32, #tpu.memory_space<hbm>>)
    %dma_start3A_86 = arith.constant 160 : i32
    %dma_start3A_87 = tpu.memref_slice %arg5[%dma_start3A_86] : memref<256xi32, #tpu.memory_space<vmem>> -> memref<32xi32, #tpu.memory_space<vmem>>
    %dma_start3A_88 = arith.constant 0 : i32
    %dma_start3A_89 = arith.constant 0 : i32
    %dma_start3A_90 = tpu.memref_slice %arg2[%dma_start3A_88, %dma_start3A_89] : memref<8192x1024xf32, #tpu.memory_space<hbm>> -> memref<8192x1024xf32, #tpu.memory_space<hbm>>
    tpu.enqueue_indirect_dma source(%dma_start3A_90 : memref<8192x1024xf32, #tpu.memory_space<hbm>>) target(%arg7 : memref<32x1024xf32, #tpu.memory_space<vmem>>) offsets(%dma_start3A_87 : memref<32xi32, #tpu.memory_space<vmem>>) semaphore(%arg9 : memref<!tpu.dma_semaphore, #tpu.memory_space<semaphore_mem>>)
    %dma_wait3A_91 = arith.constant 128 : i32
    %dma_wait3A_92 = tpu.memref_slice %arg5[%dma_wait3A_91] : memref<256xi32, #tpu.memory_space<vmem>> -> memref<32xi32, #tpu.memory_space<vmem>>
    %dma_wait3A_93 = arith.constant 0 : i32
    %dma_wait3A_94 = arith.constant 0 : i32
    %dma_wait3A_95 = tpu.memref_slice %arg2[%dma_wait3A_93, %dma_wait3A_94] : memref<8192x1024xf32, #tpu.memory_space<hbm>> -> memref<8192x1024xf32, #tpu.memory_space<hbm>>
    tpu.wait_indirect_dma semaphore(%arg8 : memref<!tpu.dma_semaphore, #tpu.memory_space<semaphore_mem>>) src(%dma_wait3A_95 : memref<8192x1024xf32, #tpu.memory_space<hbm>>) dst(%arg6 : memref<32x1024xf32, #tpu.memory_space<vmem>>)
    %add3A_96 = arith.constant 128 : i32
    %add3A_97 = arith.addi %mul3A_2, %add3A_96 : i32
    %dma_start3A_98 = arith.constant 0 : i32
    %dma_start3A_99 = tpu.memref_slice %arg4[%add3A_97, %dma_start3A_98] : memref<8192x1024xf32, #tpu.memory_space<hbm>> -> memref<32x1024xf32, #tpu.memory_space<hbm>>
    %dma_start3A_100 = arith.constant 0 : i32
    %dma_start3A_101 = tpu.memref_slice %arg4[%add3A_97, %dma_start3A_100] : memref<8192x1024xf32, #tpu.memory_space<hbm>> -> memref<32x1024xf32, #tpu.memory_space<hbm>>
    tpu.enqueue_dma source(%arg6 : memref<32x1024xf32, #tpu.memory_space<vmem>>) target(%dma_start3A_101 : memref<32x1024xf32, #tpu.memory_space<hbm>>) target_semaphore(%arg10 : memref<!tpu.dma_semaphore, #tpu.memory_space<semaphore_mem>>)
    %dma_wait3A_102 = arith.constant 0 : i32
    %dma_wait3A_103 = tpu.memref_slice %arg4[%add3A_97, %dma_wait3A_102] : memref<8192x1024xf32, #tpu.memory_space<hbm>> -> memref<32x1024xf32, #tpu.memory_space<hbm>>
    %dma_wait3A_104 = arith.constant 0 : i32
    %dma_wait3A_105 = tpu.memref_slice %arg4[%add3A_97, %dma_wait3A_104] : memref<8192x1024xf32, #tpu.memory_space<hbm>> -> memref<32x1024xf32, #tpu.memory_space<hbm>>
    tpu.wait_dma2 semaphore(%arg10 : memref<!tpu.dma_semaphore, #tpu.memory_space<semaphore_mem>>) src(%arg6 : memref<32x1024xf32, #tpu.memory_space<vmem>>) dst(%dma_wait3A_105 : memref<32x1024xf32, #tpu.memory_space<hbm>>)
    %dma_start3A_106 = arith.constant 192 : i32
    %dma_start3A_107 = tpu.memref_slice %arg5[%dma_start3A_106] : memref<256xi32, #tpu.memory_space<vmem>> -> memref<32xi32, #tpu.memory_space<vmem>>
    %dma_start3A_108 = arith.constant 0 : i32
    %dma_start3A_109 = arith.constant 0 : i32
    %dma_start3A_110 = tpu.memref_slice %arg2[%dma_start3A_108, %dma_start3A_109] : memref<8192x1024xf32, #tpu.memory_space<hbm>> -> memref<8192x1024xf32, #tpu.memory_space<hbm>>
    tpu.enqueue_indirect_dma source(%dma_start3A_110 : memref<8192x1024xf32, #tpu.memory_space<hbm>>) target(%arg6 : memref<32x1024xf32, #tpu.memory_space<vmem>>) offsets(%dma_start3A_107 : memref<32xi32, #tpu.memory_space<vmem>>) semaphore(%arg8 : memref<!tpu.dma_semaphore, #tpu.memory_space<semaphore_mem>>)
    %dma_wait3A_111 = arith.constant 160 : i32
    %dma_wait3A_112 = tpu.memref_slice %arg5[%dma_wait3A_111] : memref<256xi32, #tpu.memory_space<vmem>> -> memref<32xi32, #tpu.memory_space<vmem>>
    %dma_wait3A_113 = arith.constant 0 : i32
    %dma_wait3A_114 = arith.constant 0 : i32
    %dma_wait3A_115 = tpu.memref_slice %arg2[%dma_wait3A_113, %dma_wait3A_114] : memref<8192x1024xf32, #tpu.memory_space<hbm>> -> memref<8192x1024xf32, #tpu.memory_space<hbm>>
    tpu.wait_indirect_dma semaphore(%arg9 : memref<!tpu.dma_semaphore, #tpu.memory_space<semaphore_mem>>) src(%dma_wait3A_115 : memref<8192x1024xf32, #tpu.memory_space<hbm>>) dst(%arg7 : memref<32x1024xf32, #tpu.memory_space<vmem>>)
    %add3A_116 = arith.constant 160 : i32
    %add3A_117 = arith.addi %mul3A_2, %add3A_116 : i32
    %dma_start3A_118 = arith.constant 0 : i32
    %dma_start3A_119 = tpu.memref_slice %arg4[%add3A_117, %dma_start3A_118] : memref<8192x1024xf32, #tpu.memory_space<hbm>> -> memref<32x1024xf32, #tpu.memory_space<hbm>>
    %dma_start3A_120 = arith.constant 0 : i32
    %dma_start3A_121 = tpu.memref_slice %arg4[%add3A_117, %dma_start3A_120] : memref<8192x1024xf32, #tpu.memory_space<hbm>> -> memref<32x1024xf32, #tpu.memory_space<hbm>>
    tpu.enqueue_dma source(%arg7 : memref<32x1024xf32, #tpu.memory_space<vmem>>) target(%dma_start3A_121 : memref<32x1024xf32, #tpu.memory_space<hbm>>) target_semaphore(%arg11 : memref<!tpu.dma_semaphore, #tpu.memory_space<semaphore_mem>>)
    %dma_wait3A_122 = arith.constant 0 : i32
    %dma_wait3A_123 = tpu.memref_slice %arg4[%add3A_117, %dma_wait3A_122] : memref<8192x1024xf32, #tpu.memory_space<hbm>> -> memref<32x1024xf32, #tpu.memory_space<hbm>>
    %dma_wait3A_124 = arith.constant 0 : i32
    %dma_wait3A_125 = tpu.memref_slice %arg4[%add3A_117, %dma_wait3A_124] : memref<8192x1024xf32, #tpu.memory_space<hbm>> -> memref<32x1024xf32, #tpu.memory_space<hbm>>
    tpu.wait_dma2 semaphore(%arg11 : memref<!tpu.dma_semaphore, #tpu.memory_space<semaphore_mem>>) src(%arg7 : memref<32x1024xf32, #tpu.memory_space<vmem>>) dst(%dma_wait3A_125 : memref<32x1024xf32, #tpu.memory_space<hbm>>)
    %dma_start3A_126 = arith.constant 224 : i32
    %dma_start3A_127 = tpu.memref_slice %arg5[%dma_start3A_126] : memref<256xi32, #tpu.memory_space<vmem>> -> memref<32xi32, #tpu.memory_space<vmem>>
    %dma_start3A_128 = arith.constant 0 : i32
    %dma_start3A_129 = arith.constant 0 : i32
    %dma_start3A_130 = tpu.memref_slice %arg2[%dma_start3A_128, %dma_start3A_129] : memref<8192x1024xf32, #tpu.memory_space<hbm>> -> memref<8192x1024xf32, #tpu.memory_space<hbm>>
    tpu.enqueue_indirect_dma source(%dma_start3A_130 : memref<8192x1024xf32, #tpu.memory_space<hbm>>) target(%arg7 : memref<32x1024xf32, #tpu.memory_space<vmem>>) offsets(%dma_start3A_127 : memref<32xi32, #tpu.memory_space<vmem>>) semaphore(%arg9 : memref<!tpu.dma_semaphore, #tpu.memory_space<semaphore_mem>>)
    %dma_wait3A_131 = arith.constant 192 : i32
    %dma_wait3A_132 = tpu.memref_slice %arg5[%dma_wait3A_131] : memref<256xi32, #tpu.memory_space<vmem>> -> memref<32xi32, #tpu.memory_space<vmem>>
    %dma_wait3A_133 = arith.constant 0 : i32
    %dma_wait3A_134 = arith.constant 0 : i32
    %dma_wait3A_135 = tpu.memref_slice %arg2[%dma_wait3A_133, %dma_wait3A_134] : memref<8192x1024xf32, #tpu.memory_space<hbm>> -> memref<8192x1024xf32, #tpu.memory_space<hbm>>
    tpu.wait_indirect_dma semaphore(%arg8 : memref<!tpu.dma_semaphore, #tpu.memory_space<semaphore_mem>>) src(%dma_wait3A_135 : memref<8192x1024xf32, #tpu.memory_space<hbm>>) dst(%arg6 : memref<32x1024xf32, #tpu.memory_space<vmem>>)
    %add3A_136 = arith.constant 192 : i32
    %add3A_137 = arith.addi %mul3A_2, %add3A_136 : i32
    %dma_start3A_138 = arith.constant 0 : i32
    %dma_start3A_139 = tpu.memref_slice %arg4[%add3A_137, %dma_start3A_138] : memref<8192x1024xf32, #tpu.memory_space<hbm>> -> memref<32x1024xf32, #tpu.memory_space<hbm>>
    %dma_start3A_140 = arith.constant 0 : i32
    %dma_start3A_141 = tpu.memref_slice %arg4[%add3A_137, %dma_start3A_140] : memref<8192x1024xf32, #tpu.memory_space<hbm>> -> memref<32x1024xf32, #tpu.memory_space<hbm>>
    tpu.enqueue_dma source(%arg6 : memref<32x1024xf32, #tpu.memory_space<vmem>>) target(%dma_start3A_141 : memref<32x1024xf32, #tpu.memory_space<hbm>>) target_semaphore(%arg10 : memref<!tpu.dma_semaphore, #tpu.memory_space<semaphore_mem>>)
    %dma_wait3A_142 = arith.constant 224 : i32
    %dma_wait3A_143 = tpu.memref_slice %arg5[%dma_wait3A_142] : memref<256xi32, #tpu.memory_space<vmem>> -> memref<32xi32, #tpu.memory_space<vmem>>
    %dma_wait3A_144 = arith.constant 0 : i32
    %dma_wait3A_145 = arith.constant 0 : i32
    %dma_wait3A_146 = tpu.memref_slice %arg2[%dma_wait3A_144, %dma_wait3A_145] : memref<8192x1024xf32, #tpu.memory_space<hbm>> -> memref<8192x1024xf32, #tpu.memory_space<hbm>>
    tpu.wait_indirect_dma semaphore(%arg9 : memref<!tpu.dma_semaphore, #tpu.memory_space<semaphore_mem>>) src(%dma_wait3A_146 : memref<8192x1024xf32, #tpu.memory_space<hbm>>) dst(%arg7 : memref<32x1024xf32, #tpu.memory_space<vmem>>)
    %add3A_147 = arith.constant 224 : i32
    %add3A_148 = arith.addi %mul3A_2, %add3A_147 : i32
    %dma_start3A_149 = arith.constant 0 : i32
    %dma_start3A_150 = tpu.memref_slice %arg4[%add3A_148, %dma_start3A_149] : memref<8192x1024xf32, #tpu.memory_space<hbm>> -> memref<32x1024xf32, #tpu.memory_space<hbm>>
    %dma_start3A_151 = arith.constant 0 : i32
    %dma_start3A_152 = tpu.memref_slice %arg4[%add3A_148, %dma_start3A_151] : memref<8192x1024xf32, #tpu.memory_space<hbm>> -> memref<32x1024xf32, #tpu.memory_space<hbm>>
    tpu.enqueue_dma source(%arg7 : memref<32x1024xf32, #tpu.memory_space<vmem>>) target(%dma_start3A_152 : memref<32x1024xf32, #tpu.memory_space<hbm>>) target_semaphore(%arg11 : memref<!tpu.dma_semaphore, #tpu.memory_space<semaphore_mem>>)
    %dma_wait3A_153 = arith.constant 0 : i32
    %dma_wait3A_154 = tpu.memref_slice %arg4[%add3A_137, %dma_wait3A_153] : memref<8192x1024xf32, #tpu.memory_space<hbm>> -> memref<32x1024xf32, #tpu.memory_space<hbm>>
    %dma_wait3A_155 = arith.constant 0 : i32
    %dma_wait3A_156 = tpu.memref_slice %arg4[%add3A_137, %dma_wait3A_155] : memref<8192x1024xf32, #tpu.memory_space<hbm>> -> memref<32x1024xf32, #tpu.memory_space<hbm>>
    tpu.wait_dma2 semaphore(%arg10 : memref<!tpu.dma_semaphore, #tpu.memory_space<semaphore_mem>>) src(%arg6 : memref<32x1024xf32, #tpu.memory_space<vmem>>) dst(%dma_wait3A_156 : memref<32x1024xf32, #tpu.memory_space<hbm>>)
    %dma_wait3A_157 = arith.constant 0 : i32
    %dma_wait3A_158 = tpu.memref_slice %arg4[%add3A_148, %dma_wait3A_157] : memref<8192x1024xf32, #tpu.memory_space<hbm>> -> memref<32x1024xf32, #tpu.memory_space<hbm>>
    %dma_wait3A_159 = arith.constant 0 : i32
    %dma_wait3A_160 = tpu.memref_slice %arg4[%add3A_148, %dma_wait3A_159] : memref<8192x1024xf32, #tpu.memory_space<hbm>> -> memref<32x1024xf32, #tpu.memory_space<hbm>>
    tpu.wait_dma2 semaphore(%arg11 : memref<!tpu.dma_semaphore, #tpu.memory_space<semaphore_mem>>) src(%arg7 : memref<32x1024xf32, #tpu.memory_space<vmem>>) dst(%dma_wait3A_160 : memref<32x1024xf32, #tpu.memory_space<hbm>>)
    return
  }
}

module attributes {stable_mosaic.version = 14 : i64} {
  func.func @_tc_body(%arg0: i32, %arg1: memref<1x512x1xi32, #tpu.memory_space<vmem>>, %arg2: memref<1x512x1xi32, #tpu.memory_space<vmem>>, %arg3: memref<512x1024xf32, #tpu.memory_space<vmem>>, %arg4: memref<1024x8192xf32, #tpu.memory_space<vmem>>, %arg5: memref<1xf32, #tpu.memory_space<smem>>, %arg6: memref<4x512x1xf32, #tpu.memory_space<vmem>>, %arg7: memref<4x512x1xf32, #tpu.memory_space<vmem>>, %arg8: memref<512x1xf32, #tpu.memory_space<vmem>>) attributes {dimension_semantics = [#tpu.dimension_semantics<arbitrary>], iteration_bounds = array<i64: 16>, scalar_prefetch = 0 : i64, scratch_operands = 3 : i64, tpu.core_type = #tpu.core_type<tc>, window_params = [{transform_indices = @transform_0, window_bounds = array<i64: 1, 512, 1>}, {transform_indices = @transform_1, window_bounds = array<i64: 1, 512, 1>}, {transform_indices = @transform_2, window_bounds = array<i64: 512, 1024>}, {pipeline_mode = #tpu.pipeline_mode<synchronous>, transform_indices = @transform_3, window_bounds = array<i64: 1024, 8192>}, {transform_indices = @transform_4, window_bounds = array<i64: 1>}]} {
    %eq3A = arith.constant 0 : i32
    %eq3A_0 = arith.cmpi eq, %arg0, %eq3A : i32
    %convert_element_type3A = arith.extui %eq3A_0 : i1 to i32
    %cond3A = arith.constant 0 : i32
    %cond3A_1 = arith.cmpi ne, %convert_element_type3A, %cond3A : i32
    scf.if %cond3A_1 {
      %broadcast_in_dim3A_358 = arith.constant 0.000000e+00 : f32
      %broadcast_in_dim3A_359 = vector.broadcast %broadcast_in_dim3A_358 : f32 to vector<4x512x1xf32>
      %swap3A_360 = arith.constant 0 : index
      %swap3A_361 = arith.constant 0 : index
      %swap3A_362 = arith.constant 0 : index
      %swap3A_363 = vector.load %arg6[%swap3A_360, %swap3A_361, %swap3A_362] : memref<4x512x1xf32, #tpu.memory_space<vmem>>, vector<4x512x1xf32>
      tpu.vector_store %arg6[%swap3A_360, %swap3A_361, %swap3A_362], %broadcast_in_dim3A_359 {strides = array<i32>} : memref<4x512x1xf32, #tpu.memory_space<vmem>>, vector<4x512x1xf32>,
      %broadcast_in_dim3A_364 = arith.constant 0.000000e+00 : f32
      %broadcast_in_dim3A_365 = vector.broadcast %broadcast_in_dim3A_364 : f32 to vector<4x512x1xf32>
      %swap3A_366 = arith.constant 0 : index
      %swap3A_367 = arith.constant 0 : index
      %swap3A_368 = arith.constant 0 : index
      %swap3A_369 = vector.load %arg7[%swap3A_366, %swap3A_367, %swap3A_368] : memref<4x512x1xf32, #tpu.memory_space<vmem>>, vector<4x512x1xf32>
      tpu.vector_store %arg7[%swap3A_366, %swap3A_367, %swap3A_368], %broadcast_in_dim3A_365 {strides = array<i32>} : memref<4x512x1xf32, #tpu.memory_space<vmem>>, vector<4x512x1xf32>,
      %broadcast_in_dim3A_370 = arith.constant 0.000000e+00 : f32
      %broadcast_in_dim3A_371 = vector.broadcast %broadcast_in_dim3A_370 : f32 to vector<512x1xf32>
      %swap3A_372 = arith.constant 0 : index
      %swap3A_373 = arith.constant 0 : index
      %swap3A_374 = vector.load %arg8[%swap3A_372, %swap3A_373] : memref<512x1xf32, #tpu.memory_space<vmem>>, vector<512x1xf32>
      tpu.vector_store %arg8[%swap3A_372, %swap3A_373], %broadcast_in_dim3A_371 {strides = array<i32>} : memref<512x1xf32, #tpu.memory_space<vmem>>, vector<512x1xf32>,
    } else {
    }
    %get3A = arith.constant 0 : index
    %get3A_2 = arith.constant 1 : index
    %get3A_3 = arith.constant 0 : index
    %get3A_4 = vector.load %arg1[%get3A, %get3A_2, %get3A_3] : memref<1x512x1xi32, #tpu.memory_space<vmem>>, vector<1x511x1xi32>
    %get3A_5 = vector.shape_cast %get3A_4 : vector<1x511x1xi32> to vector<511x1xi32>
    %get3A_6 = arith.constant 0 : index
    %get3A_7 = arith.constant 0 : index
    %get3A_8 = arith.constant 0 : index
    %get3A_9 = vector.load %arg2[%get3A_6, %get3A_7, %get3A_8] : memref<1x512x1xi32, #tpu.memory_space<vmem>>, vector<1x1x1xi32>
    %get3A_10 = vector.shape_cast %get3A_9 : vector<1x1x1xi32> to vector<1x1xi32>
    %concatenate3A = tpu.concatenate %get3A_5, %get3A_10 in 0 : vector<511x1xi32>, vector<1x1xi32> -> vector<512x1xi32>
    %get3A_11 = arith.constant 0 : index
    %get3A_12 = arith.constant 0 : index
    %get3A_13 = vector.load %arg3[%get3A_11, %get3A_12] : memref<512x1024xf32, #tpu.memory_space<vmem>>, vector<512x1024xf32>
    %broadcast_in_dim3A = arith.constant 0.000000e+00 : f32
    %broadcast_in_dim3A_14 = vector.broadcast %broadcast_in_dim3A : f32 to vector<512x1xf32>
    %broadcast_in_dim3A_15 = arith.constant 0.000000e+00 : f32
    %broadcast_in_dim3A_16 = vector.broadcast %broadcast_in_dim3A_15 : f32 to vector<512x1xf32>
    %broadcast_in_dim3A_17 = arith.constant 0xFF800000 : f32
    %broadcast_in_dim3A_18 = vector.broadcast %broadcast_in_dim3A_17 : f32 to vector<512x1xf32>
    %broadcast_in_dim3A_19 = arith.constant 0.000000e+00 : f32
    %broadcast_in_dim3A_20 = vector.broadcast %broadcast_in_dim3A_19 : f32 to vector<512x1xf32>
    %get3A_21 = arith.constant 0 : index
    %get3A_22 = arith.constant 0 : index
    %get3A_23 = vector.load %arg4[%get3A_21, %get3A_22] : memref<1024x8192xf32, #tpu.memory_space<vmem>>, vector<1024x1024xf32>
    %dot_general3A = arith.constant dense<0.000000e+00> : vector<512x1024xf32>
    %dot_general3A_24 = tpu.matmul %get3A_13, %get3A_23, %dot_general3A {dimension_numbers = #tpu.dot_dimension_numbers<[1], [0], [0], [1], [0, 0, 1, 1], [], []>, transpose_lhs_hint = false} : vector<512x1024xf32>, vector<1024x1024xf32>, vector<512x1024xf32> -> vector<512x1024xf32>
    %get3A_25 = arith.constant 0 : index
    %get3A_26 = arith.constant 1024 : index
    %get3A_27 = vector.load %arg4[%get3A_25, %get3A_26] : memref<1024x8192xf32, #tpu.memory_space<vmem>>, vector<1024x1024xf32>
    %dot_general3A_28 = arith.constant dense<0.000000e+00> : vector<512x1024xf32>
    %dot_general3A_29 = tpu.matmul %get3A_13, %get3A_27, %dot_general3A_28 {dimension_numbers = #tpu.dot_dimension_numbers<[1], [0], [0], [1], [0, 0, 1, 1], [], []>, transpose_lhs_hint = false} : vector<512x1024xf32>, vector<1024x1024xf32>, vector<512x1024xf32> -> vector<512x1024xf32>
    %exp3A = math.exp %dot_general3A_24 : vector<512x1024xf32>
    %reduce_sum3A = arith.constant dense<0.000000e+00> : vector<512xf32>
    %reduce_sum3A_30 = vector.multi_reduction <add>, %exp3A, %reduce_sum3A [1] : vector<512x1024xf32> to vector<512xf32>
    %broadcast_in_dim3A_31 = vector.shape_cast %reduce_sum3A_30 : vector<512xf32> to vector<512x1xf32>
    %add3A = arith.addf %broadcast_in_dim3A_14, %broadcast_in_dim3A_31 : vector<512x1xf32>
    %mul3A = arith.mulf %exp3A, %dot_general3A_24 : vector<512x1024xf32>
    %reduce_sum3A_32 = arith.constant dense<0.000000e+00> : vector<512xf32>
    %reduce_sum3A_33 = vector.multi_reduction <add>, %mul3A, %reduce_sum3A_32 [1] : vector<512x1024xf32> to vector<512xf32>
    %broadcast_in_dim3A_34 = vector.shape_cast %reduce_sum3A_33 : vector<512xf32> to vector<512x1xf32>
    %add3A_35 = arith.addf %broadcast_in_dim3A_16, %broadcast_in_dim3A_34 : vector<512x1xf32>
    %reduce_max3A = arith.constant dense<0xFF800000> : vector<512xf32>
    %reduce_max3A_36 = vector.multi_reduction <maximumf>, %dot_general3A_24, %reduce_max3A [1] : vector<512x1024xf32> to vector<512xf32>
    %broadcast_in_dim3A_37 = vector.shape_cast %reduce_max3A_36 : vector<512xf32> to vector<512x1xf32>
    %max3A = arith.maximumf %broadcast_in_dim3A_18, %broadcast_in_dim3A_37 : vector<512x1xf32>
    %iota3A = tpu.iota {dimensions = array<i32: 1>} : vector<512x1024xi32>
    %add3A_38 = arith.constant 0 : i32
    %add3A_39 = vector.broadcast %add3A_38 : i32 to vector<512x1024xi32>
    %add3A_40 = arith.addi %add3A_39, %iota3A : vector<512x1024xi32>
    %eq3A_41 = vector.broadcast %concatenate3A : vector<512x1xi32> to vector<512x1024xi32>
    %eq3A_42 = arith.cmpi eq, %add3A_40, %eq3A_41 : vector<512x1024xi32>
    %jit3A = arith.constant 0.000000e+00 : f32
    %broadcast_in_dim3A_43 = vector.broadcast %jit3A : f32 to vector<512x1024xf32>
    %select_n3A = arith.select %eq3A_42, %dot_general3A_24, %broadcast_in_dim3A_43 : vector<512x1024xi1>, vector<512x1024xf32>
    %reduce_sum3A_44 = arith.constant dense<0.000000e+00> : vector<512xf32>
    %reduce_sum3A_45 = vector.multi_reduction <add>, %select_n3A, %reduce_sum3A_44 [1] : vector<512x1024xf32> to vector<512xf32>
    %broadcast_in_dim3A_46 = vector.shape_cast %reduce_sum3A_45 : vector<512xf32> to vector<512x1xf32>
    %add3A_47 = arith.addf %broadcast_in_dim3A_20, %broadcast_in_dim3A_46 : vector<512x1xf32>
    %exp3A_48 = math.exp %dot_general3A_29 : vector<512x1024xf32>
    %reduce_sum3A_49 = arith.constant dense<0.000000e+00> : vector<512xf32>
    %reduce_sum3A_50 = vector.multi_reduction <add>, %exp3A_48, %reduce_sum3A_49 [1] : vector<512x1024xf32> to vector<512xf32>
    %broadcast_in_dim3A_51 = vector.shape_cast %reduce_sum3A_50 : vector<512xf32> to vector<512x1xf32>
    %add3A_52 = arith.addf %add3A, %broadcast_in_dim3A_51 : vector<512x1xf32>
    %mul3A_53 = arith.mulf %exp3A_48, %dot_general3A_29 : vector<512x1024xf32>
    %reduce_sum3A_54 = arith.constant dense<0.000000e+00> : vector<512xf32>
    %reduce_sum3A_55 = vector.multi_reduction <add>, %mul3A_53, %reduce_sum3A_54 [1] : vector<512x1024xf32> to vector<512xf32>
    %broadcast_in_dim3A_56 = vector.shape_cast %reduce_sum3A_55 : vector<512xf32> to vector<512x1xf32>
    %add3A_57 = arith.addf %add3A_35, %broadcast_in_dim3A_56 : vector<512x1xf32>
    %reduce_max3A_58 = arith.constant dense<0xFF800000> : vector<512xf32>
    %reduce_max3A_59 = vector.multi_reduction <maximumf>, %dot_general3A_29, %reduce_max3A_58 [1] : vector<512x1024xf32> to vector<512xf32>
    %broadcast_in_dim3A_60 = vector.shape_cast %reduce_max3A_59 : vector<512xf32> to vector<512x1xf32>
    %max3A_61 = arith.maximumf %max3A, %broadcast_in_dim3A_60 : vector<512x1xf32>
    %iota3A_62 = tpu.iota {dimensions = array<i32: 1>} : vector<512x1024xi32>
    %add3A_63 = arith.constant 1024 : i32
    %add3A_64 = vector.broadcast %add3A_63 : i32 to vector<512x1024xi32>
    %add3A_65 = arith.addi %add3A_64, %iota3A_62 : vector<512x1024xi32>
    %eq3A_66 = vector.broadcast %concatenate3A : vector<512x1xi32> to vector<512x1024xi32>
    %eq3A_67 = arith.cmpi eq, %add3A_65, %eq3A_66 : vector<512x1024xi32>
    %jit3A_68 = arith.constant 0.000000e+00 : f32
    %broadcast_in_dim3A_69 = vector.broadcast %jit3A_68 : f32 to vector<512x1024xf32>
    %select_n3A_70 = arith.select %eq3A_67, %dot_general3A_29, %broadcast_in_dim3A_69 : vector<512x1024xi1>, vector<512x1024xf32>
    %reduce_sum3A_71 = arith.constant dense<0.000000e+00> : vector<512xf32>
    %reduce_sum3A_72 = vector.multi_reduction <add>, %select_n3A_70, %reduce_sum3A_71 [1] : vector<512x1024xf32> to vector<512xf32>
    %broadcast_in_dim3A_73 = vector.shape_cast %reduce_sum3A_72 : vector<512xf32> to vector<512x1xf32>
    %add3A_74 = arith.addf %add3A_47, %broadcast_in_dim3A_73 : vector<512x1xf32>
    %get3A_75 = arith.constant 0 : index
    %get3A_76 = arith.constant 2048 : index
    %get3A_77 = vector.load %arg4[%get3A_75, %get3A_76] : memref<1024x8192xf32, #tpu.memory_space<vmem>>, vector<1024x1024xf32>
    %dot_general3A_78 = arith.constant dense<0.000000e+00> : vector<512x1024xf32>
    %dot_general3A_79 = tpu.matmul %get3A_13, %get3A_77, %dot_general3A_78 {dimension_numbers = #tpu.dot_dimension_numbers<[1], [0], [0], [1], [0, 0, 1, 1], [], []>, transpose_lhs_hint = false} : vector<512x1024xf32>, vector<1024x1024xf32>, vector<512x1024xf32> -> vector<512x1024xf32>
    %get3A_80 = arith.constant 0 : index
    %get3A_81 = arith.constant 3072 : index
    %get3A_82 = vector.load %arg4[%get3A_80, %get3A_81] : memref<1024x8192xf32, #tpu.memory_space<vmem>>, vector<1024x1024xf32>
    %dot_general3A_83 = arith.constant dense<0.000000e+00> : vector<512x1024xf32>
    %dot_general3A_84 = tpu.matmul %get3A_13, %get3A_82, %dot_general3A_83 {dimension_numbers = #tpu.dot_dimension_numbers<[1], [0], [0], [1], [0, 0, 1, 1], [], []>, transpose_lhs_hint = false} : vector<512x1024xf32>, vector<1024x1024xf32>, vector<512x1024xf32> -> vector<512x1024xf32>
    %exp3A_85 = math.exp %dot_general3A_79 : vector<512x1024xf32>
    %reduce_sum3A_86 = arith.constant dense<0.000000e+00> : vector<512xf32>
    %reduce_sum3A_87 = vector.multi_reduction <add>, %exp3A_85, %reduce_sum3A_86 [1] : vector<512x1024xf32> to vector<512xf32>
    %broadcast_in_dim3A_88 = vector.shape_cast %reduce_sum3A_87 : vector<512xf32> to vector<512x1xf32>
    %add3A_89 = arith.addf %add3A_52, %broadcast_in_dim3A_88 : vector<512x1xf32>
    %mul3A_90 = arith.mulf %exp3A_85, %dot_general3A_79 : vector<512x1024xf32>
    %reduce_sum3A_91 = arith.constant dense<0.000000e+00> : vector<512xf32>
    %reduce_sum3A_92 = vector.multi_reduction <add>, %mul3A_90, %reduce_sum3A_91 [1] : vector<512x1024xf32> to vector<512xf32>
    %broadcast_in_dim3A_93 = vector.shape_cast %reduce_sum3A_92 : vector<512xf32> to vector<512x1xf32>
    %add3A_94 = arith.addf %add3A_57, %broadcast_in_dim3A_93 : vector<512x1xf32>
    %reduce_max3A_95 = arith.constant dense<0xFF800000> : vector<512xf32>
    %reduce_max3A_96 = vector.multi_reduction <maximumf>, %dot_general3A_79, %reduce_max3A_95 [1] : vector<512x1024xf32> to vector<512xf32>
    %broadcast_in_dim3A_97 = vector.shape_cast %reduce_max3A_96 : vector<512xf32> to vector<512x1xf32>
    %max3A_98 = arith.maximumf %max3A_61, %broadcast_in_dim3A_97 : vector<512x1xf32>
    %iota3A_99 = tpu.iota {dimensions = array<i32: 1>} : vector<512x1024xi32>
    %add3A_100 = arith.constant 2048 : i32
    %add3A_101 = vector.broadcast %add3A_100 : i32 to vector<512x1024xi32>
    %add3A_102 = arith.addi %add3A_101, %iota3A_99 : vector<512x1024xi32>
    %eq3A_103 = vector.broadcast %concatenate3A : vector<512x1xi32> to vector<512x1024xi32>
    %eq3A_104 = arith.cmpi eq, %add3A_102, %eq3A_103 : vector<512x1024xi32>
    %jit3A_105 = arith.constant 0.000000e+00 : f32
    %broadcast_in_dim3A_106 = vector.broadcast %jit3A_105 : f32 to vector<512x1024xf32>
    %select_n3A_107 = arith.select %eq3A_104, %dot_general3A_79, %broadcast_in_dim3A_106 : vector<512x1024xi1>, vector<512x1024xf32>
    %reduce_sum3A_108 = arith.constant dense<0.000000e+00> : vector<512xf32>
    %reduce_sum3A_109 = vector.multi_reduction <add>, %select_n3A_107, %reduce_sum3A_108 [1] : vector<512x1024xf32> to vector<512xf32>
    %broadcast_in_dim3A_110 = vector.shape_cast %reduce_sum3A_109 : vector<512xf32> to vector<512x1xf32>
    %add3A_111 = arith.addf %add3A_74, %broadcast_in_dim3A_110 : vector<512x1xf32>
    %exp3A_112 = math.exp %dot_general3A_84 : vector<512x1024xf32>
    %reduce_sum3A_113 = arith.constant dense<0.000000e+00> : vector<512xf32>
    %reduce_sum3A_114 = vector.multi_reduction <add>, %exp3A_112, %reduce_sum3A_113 [1] : vector<512x1024xf32> to vector<512xf32>
    %broadcast_in_dim3A_115 = vector.shape_cast %reduce_sum3A_114 : vector<512xf32> to vector<512x1xf32>
    %add3A_116 = arith.addf %add3A_89, %broadcast_in_dim3A_115 : vector<512x1xf32>
    %mul3A_117 = arith.mulf %exp3A_112, %dot_general3A_84 : vector<512x1024xf32>
    %reduce_sum3A_118 = arith.constant dense<0.000000e+00> : vector<512xf32>
    %reduce_sum3A_119 = vector.multi_reduction <add>, %mul3A_117, %reduce_sum3A_118 [1] : vector<512x1024xf32> to vector<512xf32>
    %broadcast_in_dim3A_120 = vector.shape_cast %reduce_sum3A_119 : vector<512xf32> to vector<512x1xf32>
    %add3A_121 = arith.addf %add3A_94, %broadcast_in_dim3A_120 : vector<512x1xf32>
    %reduce_max3A_122 = arith.constant dense<0xFF800000> : vector<512xf32>
    %reduce_max3A_123 = vector.multi_reduction <maximumf>, %dot_general3A_84, %reduce_max3A_122 [1] : vector<512x1024xf32> to vector<512xf32>
    %broadcast_in_dim3A_124 = vector.shape_cast %reduce_max3A_123 : vector<512xf32> to vector<512x1xf32>
    %max3A_125 = arith.maximumf %max3A_98, %broadcast_in_dim3A_124 : vector<512x1xf32>
    %iota3A_126 = tpu.iota {dimensions = array<i32: 1>} : vector<512x1024xi32>
    %add3A_127 = arith.constant 3072 : i32
    %add3A_128 = vector.broadcast %add3A_127 : i32 to vector<512x1024xi32>
    %add3A_129 = arith.addi %add3A_128, %iota3A_126 : vector<512x1024xi32>
    %eq3A_130 = vector.broadcast %concatenate3A : vector<512x1xi32> to vector<512x1024xi32>
    %eq3A_131 = arith.cmpi eq, %add3A_129, %eq3A_130 : vector<512x1024xi32>
    %jit3A_132 = arith.constant 0.000000e+00 : f32
    %broadcast_in_dim3A_133 = vector.broadcast %jit3A_132 : f32 to vector<512x1024xf32>
    %select_n3A_134 = arith.select %eq3A_131, %dot_general3A_84, %broadcast_in_dim3A_133 : vector<512x1024xi1>, vector<512x1024xf32>
    %reduce_sum3A_135 = arith.constant dense<0.000000e+00> : vector<512xf32>
    %reduce_sum3A_136 = vector.multi_reduction <add>, %select_n3A_134, %reduce_sum3A_135 [1] : vector<512x1024xf32> to vector<512xf32>
    %broadcast_in_dim3A_137 = vector.shape_cast %reduce_sum3A_136 : vector<512xf32> to vector<512x1xf32>
    %add3A_138 = arith.addf %add3A_111, %broadcast_in_dim3A_137 : vector<512x1xf32>
    %get3A_139 = arith.constant 0 : index
    %get3A_140 = arith.constant 4096 : index
    %get3A_141 = vector.load %arg4[%get3A_139, %get3A_140] : memref<1024x8192xf32, #tpu.memory_space<vmem>>, vector<1024x1024xf32>
    %dot_general3A_142 = arith.constant dense<0.000000e+00> : vector<512x1024xf32>
    %dot_general3A_143 = tpu.matmul %get3A_13, %get3A_141, %dot_general3A_142 {dimension_numbers = #tpu.dot_dimension_numbers<[1], [0], [0], [1], [0, 0, 1, 1], [], []>, transpose_lhs_hint = false} : vector<512x1024xf32>, vector<1024x1024xf32>, vector<512x1024xf32> -> vector<512x1024xf32>
    %get3A_144 = arith.constant 0 : index
    %get3A_145 = arith.constant 5120 : index
    %get3A_146 = vector.load %arg4[%get3A_144, %get3A_145] : memref<1024x8192xf32, #tpu.memory_space<vmem>>, vector<1024x1024xf32>
    %dot_general3A_147 = arith.constant dense<0.000000e+00> : vector<512x1024xf32>
    %dot_general3A_148 = tpu.matmul %get3A_13, %get3A_146, %dot_general3A_147 {dimension_numbers = #tpu.dot_dimension_numbers<[1], [0], [0], [1], [0, 0, 1, 1], [], []>, transpose_lhs_hint = false} : vector<512x1024xf32>, vector<1024x1024xf32>, vector<512x1024xf32> -> vector<512x1024xf32>
    %exp3A_149 = math.exp %dot_general3A_143 : vector<512x1024xf32>
    %reduce_sum3A_150 = arith.constant dense<0.000000e+00> : vector<512xf32>
    %reduce_sum3A_151 = vector.multi_reduction <add>, %exp3A_149, %reduce_sum3A_150 [1] : vector<512x1024xf32> to vector<512xf32>
    %broadcast_in_dim3A_152 = vector.shape_cast %reduce_sum3A_151 : vector<512xf32> to vector<512x1xf32>
    %add3A_153 = arith.addf %add3A_116, %broadcast_in_dim3A_152 : vector<512x1xf32>
    %mul3A_154 = arith.mulf %exp3A_149, %dot_general3A_143 : vector<512x1024xf32>
    %reduce_sum3A_155 = arith.constant dense<0.000000e+00> : vector<512xf32>
    %reduce_sum3A_156 = vector.multi_reduction <add>, %mul3A_154, %reduce_sum3A_155 [1] : vector<512x1024xf32> to vector<512xf32>
    %broadcast_in_dim3A_157 = vector.shape_cast %reduce_sum3A_156 : vector<512xf32> to vector<512x1xf32>
    %add3A_158 = arith.addf %add3A_121, %broadcast_in_dim3A_157 : vector<512x1xf32>
    %reduce_max3A_159 = arith.constant dense<0xFF800000> : vector<512xf32>
    %reduce_max3A_160 = vector.multi_reduction <maximumf>, %dot_general3A_143, %reduce_max3A_159 [1] : vector<512x1024xf32> to vector<512xf32>
    %broadcast_in_dim3A_161 = vector.shape_cast %reduce_max3A_160 : vector<512xf32> to vector<512x1xf32>
    %max3A_162 = arith.maximumf %max3A_125, %broadcast_in_dim3A_161 : vector<512x1xf32>
    %iota3A_163 = tpu.iota {dimensions = array<i32: 1>} : vector<512x1024xi32>
    %add3A_164 = arith.constant 4096 : i32
    %add3A_165 = vector.broadcast %add3A_164 : i32 to vector<512x1024xi32>
    %add3A_166 = arith.addi %add3A_165, %iota3A_163 : vector<512x1024xi32>
    %eq3A_167 = vector.broadcast %concatenate3A : vector<512x1xi32> to vector<512x1024xi32>
    %eq3A_168 = arith.cmpi eq, %add3A_166, %eq3A_167 : vector<512x1024xi32>
    %jit3A_169 = arith.constant 0.000000e+00 : f32
    %broadcast_in_dim3A_170 = vector.broadcast %jit3A_169 : f32 to vector<512x1024xf32>
    %select_n3A_171 = arith.select %eq3A_168, %dot_general3A_143, %broadcast_in_dim3A_170 : vector<512x1024xi1>, vector<512x1024xf32>
    %reduce_sum3A_172 = arith.constant dense<0.000000e+00> : vector<512xf32>
    %reduce_sum3A_173 = vector.multi_reduction <add>, %select_n3A_171, %reduce_sum3A_172 [1] : vector<512x1024xf32> to vector<512xf32>
    %broadcast_in_dim3A_174 = vector.shape_cast %reduce_sum3A_173 : vector<512xf32> to vector<512x1xf32>
    %add3A_175 = arith.addf %add3A_138, %broadcast_in_dim3A_174 : vector<512x1xf32>
    %exp3A_176 = math.exp %dot_general3A_148 : vector<512x1024xf32>
    %reduce_sum3A_177 = arith.constant dense<0.000000e+00> : vector<512xf32>
    %reduce_sum3A_178 = vector.multi_reduction <add>, %exp3A_176, %reduce_sum3A_177 [1] : vector<512x1024xf32> to vector<512xf32>
    %broadcast_in_dim3A_179 = vector.shape_cast %reduce_sum3A_178 : vector<512xf32> to vector<512x1xf32>
    %add3A_180 = arith.addf %add3A_153, %broadcast_in_dim3A_179 : vector<512x1xf32>
    %mul3A_181 = arith.mulf %exp3A_176, %dot_general3A_148 : vector<512x1024xf32>
    %reduce_sum3A_182 = arith.constant dense<0.000000e+00> : vector<512xf32>
    %reduce_sum3A_183 = vector.multi_reduction <add>, %mul3A_181, %reduce_sum3A_182 [1] : vector<512x1024xf32> to vector<512xf32>
    %broadcast_in_dim3A_184 = vector.shape_cast %reduce_sum3A_183 : vector<512xf32> to vector<512x1xf32>
    %add3A_185 = arith.addf %add3A_158, %broadcast_in_dim3A_184 : vector<512x1xf32>
    %reduce_max3A_186 = arith.constant dense<0xFF800000> : vector<512xf32>
    %reduce_max3A_187 = vector.multi_reduction <maximumf>, %dot_general3A_148, %reduce_max3A_186 [1] : vector<512x1024xf32> to vector<512xf32>
    %broadcast_in_dim3A_188 = vector.shape_cast %reduce_max3A_187 : vector<512xf32> to vector<512x1xf32>
    %max3A_189 = arith.maximumf %max3A_162, %broadcast_in_dim3A_188 : vector<512x1xf32>
    %iota3A_190 = tpu.iota {dimensions = array<i32: 1>} : vector<512x1024xi32>
    %add3A_191 = arith.constant 5120 : i32
    %add3A_192 = vector.broadcast %add3A_191 : i32 to vector<512x1024xi32>
    %add3A_193 = arith.addi %add3A_192, %iota3A_190 : vector<512x1024xi32>
    %eq3A_194 = vector.broadcast %concatenate3A : vector<512x1xi32> to vector<512x1024xi32>
    %eq3A_195 = arith.cmpi eq, %add3A_193, %eq3A_194 : vector<512x1024xi32>
    %jit3A_196 = arith.constant 0.000000e+00 : f32
    %broadcast_in_dim3A_197 = vector.broadcast %jit3A_196 : f32 to vector<512x1024xf32>
    %select_n3A_198 = arith.select %eq3A_195, %dot_general3A_148, %broadcast_in_dim3A_197 : vector<512x1024xi1>, vector<512x1024xf32>
    %reduce_sum3A_199 = arith.constant dense<0.000000e+00> : vector<512xf32>
    %reduce_sum3A_200 = vector.multi_reduction <add>, %select_n3A_198, %reduce_sum3A_199 [1] : vector<512x1024xf32> to vector<512xf32>
    %broadcast_in_dim3A_201 = vector.shape_cast %reduce_sum3A_200 : vector<512xf32> to vector<512x1xf32>
    %add3A_202 = arith.addf %add3A_175, %broadcast_in_dim3A_201 : vector<512x1xf32>
    %get3A_203 = arith.constant 0 : index
    %get3A_204 = arith.constant 6144 : index
    %get3A_205 = vector.load %arg4[%get3A_203, %get3A_204] : memref<1024x8192xf32, #tpu.memory_space<vmem>>, vector<1024x1024xf32>
    %dot_general3A_206 = arith.constant dense<0.000000e+00> : vector<512x1024xf32>
    %dot_general3A_207 = tpu.matmul %get3A_13, %get3A_205, %dot_general3A_206 {dimension_numbers = #tpu.dot_dimension_numbers<[1], [0], [0], [1], [0, 0, 1, 1], [], []>, transpose_lhs_hint = false} : vector<512x1024xf32>, vector<1024x1024xf32>, vector<512x1024xf32> -> vector<512x1024xf32>
    %get3A_208 = arith.constant 0 : index
    %get3A_209 = arith.constant 7168 : index
    %get3A_210 = vector.load %arg4[%get3A_208, %get3A_209] : memref<1024x8192xf32, #tpu.memory_space<vmem>>, vector<1024x1024xf32>
    %dot_general3A_211 = arith.constant dense<0.000000e+00> : vector<512x1024xf32>
    %dot_general3A_212 = tpu.matmul %get3A_13, %get3A_210, %dot_general3A_211 {dimension_numbers = #tpu.dot_dimension_numbers<[1], [0], [0], [1], [0, 0, 1, 1], [], []>, transpose_lhs_hint = false} : vector<512x1024xf32>, vector<1024x1024xf32>, vector<512x1024xf32> -> vector<512x1024xf32>
    %exp3A_213 = math.exp %dot_general3A_207 : vector<512x1024xf32>
    %reduce_sum3A_214 = arith.constant dense<0.000000e+00> : vector<512xf32>
    %reduce_sum3A_215 = vector.multi_reduction <add>, %exp3A_213, %reduce_sum3A_214 [1] : vector<512x1024xf32> to vector<512xf32>
    %broadcast_in_dim3A_216 = vector.shape_cast %reduce_sum3A_215 : vector<512xf32> to vector<512x1xf32>
    %add3A_217 = arith.addf %add3A_180, %broadcast_in_dim3A_216 : vector<512x1xf32>
    %mul3A_218 = arith.mulf %exp3A_213, %dot_general3A_207 : vector<512x1024xf32>
    %reduce_sum3A_219 = arith.constant dense<0.000000e+00> : vector<512xf32>
    %reduce_sum3A_220 = vector.multi_reduction <add>, %mul3A_218, %reduce_sum3A_219 [1] : vector<512x1024xf32> to vector<512xf32>
    %broadcast_in_dim3A_221 = vector.shape_cast %reduce_sum3A_220 : vector<512xf32> to vector<512x1xf32>
    %add3A_222 = arith.addf %add3A_185, %broadcast_in_dim3A_221 : vector<512x1xf32>
    %reduce_max3A_223 = arith.constant dense<0xFF800000> : vector<512xf32>
    %reduce_max3A_224 = vector.multi_reduction <maximumf>, %dot_general3A_207, %reduce_max3A_223 [1] : vector<512x1024xf32> to vector<512xf32>
    %broadcast_in_dim3A_225 = vector.shape_cast %reduce_max3A_224 : vector<512xf32> to vector<512x1xf32>
    %max3A_226 = arith.maximumf %max3A_189, %broadcast_in_dim3A_225 : vector<512x1xf32>
    %iota3A_227 = tpu.iota {dimensions = array<i32: 1>} : vector<512x1024xi32>
    %add3A_228 = arith.constant 6144 : i32
    %add3A_229 = vector.broadcast %add3A_228 : i32 to vector<512x1024xi32>
    %add3A_230 = arith.addi %add3A_229, %iota3A_227 : vector<512x1024xi32>
    %eq3A_231 = vector.broadcast %concatenate3A : vector<512x1xi32> to vector<512x1024xi32>
    %eq3A_232 = arith.cmpi eq, %add3A_230, %eq3A_231 : vector<512x1024xi32>
    %jit3A_233 = arith.constant 0.000000e+00 : f32
    %broadcast_in_dim3A_234 = vector.broadcast %jit3A_233 : f32 to vector<512x1024xf32>
    %select_n3A_235 = arith.select %eq3A_232, %dot_general3A_207, %broadcast_in_dim3A_234 : vector<512x1024xi1>, vector<512x1024xf32>
    %reduce_sum3A_236 = arith.constant dense<0.000000e+00> : vector<512xf32>
    %reduce_sum3A_237 = vector.multi_reduction <add>, %select_n3A_235, %reduce_sum3A_236 [1] : vector<512x1024xf32> to vector<512xf32>
    %broadcast_in_dim3A_238 = vector.shape_cast %reduce_sum3A_237 : vector<512xf32> to vector<512x1xf32>
    %add3A_239 = arith.addf %add3A_202, %broadcast_in_dim3A_238 : vector<512x1xf32>
    %exp3A_240 = math.exp %dot_general3A_212 : vector<512x1024xf32>
    %reduce_sum3A_241 = arith.constant dense<0.000000e+00> : vector<512xf32>
    %reduce_sum3A_242 = vector.multi_reduction <add>, %exp3A_240, %reduce_sum3A_241 [1] : vector<512x1024xf32> to vector<512xf32>
    %broadcast_in_dim3A_243 = vector.shape_cast %reduce_sum3A_242 : vector<512xf32> to vector<512x1xf32>
    %add3A_244 = arith.addf %add3A_217, %broadcast_in_dim3A_243 : vector<512x1xf32>
    %mul3A_245 = arith.mulf %exp3A_240, %dot_general3A_212 : vector<512x1024xf32>
    %reduce_sum3A_246 = arith.constant dense<0.000000e+00> : vector<512xf32>
    %reduce_sum3A_247 = vector.multi_reduction <add>, %mul3A_245, %reduce_sum3A_246 [1] : vector<512x1024xf32> to vector<512xf32>
    %broadcast_in_dim3A_248 = vector.shape_cast %reduce_sum3A_247 : vector<512xf32> to vector<512x1xf32>
    %add3A_249 = arith.addf %add3A_222, %broadcast_in_dim3A_248 : vector<512x1xf32>
    %reduce_max3A_250 = arith.constant dense<0xFF800000> : vector<512xf32>
    %reduce_max3A_251 = vector.multi_reduction <maximumf>, %dot_general3A_212, %reduce_max3A_250 [1] : vector<512x1024xf32> to vector<512xf32>
    %broadcast_in_dim3A_252 = vector.shape_cast %reduce_max3A_251 : vector<512xf32> to vector<512x1xf32>
    %max3A_253 = arith.maximumf %max3A_226, %broadcast_in_dim3A_252 : vector<512x1xf32>
    %iota3A_254 = tpu.iota {dimensions = array<i32: 1>} : vector<512x1024xi32>
    %add3A_255 = arith.constant 7168 : i32
    %add3A_256 = vector.broadcast %add3A_255 : i32 to vector<512x1024xi32>
    %add3A_257 = arith.addi %add3A_256, %iota3A_254 : vector<512x1024xi32>
    %eq3A_258 = vector.broadcast %concatenate3A : vector<512x1xi32> to vector<512x1024xi32>
    %eq3A_259 = arith.cmpi eq, %add3A_257, %eq3A_258 : vector<512x1024xi32>
    %jit3A_260 = arith.constant 0.000000e+00 : f32
    %broadcast_in_dim3A_261 = vector.broadcast %jit3A_260 : f32 to vector<512x1024xf32>
    %select_n3A_262 = arith.select %eq3A_259, %dot_general3A_212, %broadcast_in_dim3A_261 : vector<512x1024xi1>, vector<512x1024xf32>
    %reduce_sum3A_263 = arith.constant dense<0.000000e+00> : vector<512xf32>
    %reduce_sum3A_264 = vector.multi_reduction <add>, %select_n3A_262, %reduce_sum3A_263 [1] : vector<512x1024xf32> to vector<512xf32>
    %broadcast_in_dim3A_265 = vector.shape_cast %reduce_sum3A_264 : vector<512xf32> to vector<512x1xf32>
    %add3A_266 = arith.addf %add3A_239, %broadcast_in_dim3A_265 : vector<512x1xf32>
    %log3A = math.log %add3A_244 : vector<512x1xf32>
    %sub3A = arith.subf %max3A_253, %log3A : vector<512x1xf32>
    %exp3A_267 = math.exp %sub3A : vector<512x1xf32>
    %div3A = arith.divf %add3A_249, %add3A_244 : vector<512x1xf32>
    %sub3A_268 = arith.subf %log3A, %div3A : vector<512x1xf32>
    %sub3A_269 = arith.constant 1.000000e+00 : f32
    %sub3A_270 = vector.broadcast %sub3A_269 : f32 to vector<512x1xf32>
    %sub3A_271 = arith.subf %sub3A_270, %exp3A_267 : vector<512x1xf32>
    %mul3A_272 = arith.constant 0.11097654 : f32
    %mul3A_273 = vector.broadcast %mul3A_272 : f32 to vector<512x1xf32>
    %mul3A_274 = arith.mulf %sub3A_268, %mul3A_273 : vector<512x1xf32>
    %add3A_275 = arith.addf %sub3A_271, %mul3A_274 : vector<512x1xf32>
    %iota3A_276 = tpu.iota {dimensions = array<i32: 0>} : vector<512x1xi32>
    %jit3A_277 = arith.constant 4 : i32
    %eq3A_278 = arith.constant 0 : i32
    %eq3A_279 = arith.cmpi eq, %jit3A_277, %eq3A_278 : i32
    %jit3A_280 = arith.constant 1 : i32
    %select_n3A_281 = arith.select %eq3A_279, %jit3A_280, %jit3A_277 : i32
    %rem3A = arith.remsi %arg0, %select_n3A_281 : i32
    %ne3A = arith.constant 0 : i32
    %ne3A_282 = arith.cmpi ne, %rem3A, %ne3A : i32
    %lt3A = arith.constant 0 : i32
    %lt3A_283 = arith.cmpi slt, %rem3A, %lt3A : i32
    %lt3A_284 = arith.constant 0 : i32
    %lt3A_285 = arith.cmpi slt, %select_n3A_281, %lt3A_284 : i32
    %ne3A_286 = arith.xori %lt3A_283, %lt3A_285 : i1
    %and3A = arith.andi %ne3A_286, %ne3A_282 : i1
    %add3A_287 = arith.addi %rem3A, %select_n3A_281 : i32
    %select_n3A_288 = arith.select %and3A, %add3A_287, %rem3A : i32
    %mul3A_289 = arith.constant 512 : i32
    %mul3A_290 = arith.muli %select_n3A_288, %mul3A_289 : i32
    %add3A_291 = vector.broadcast %mul3A_290 : i32 to vector<512x1xi32>
    %add3A_292 = arith.addi %add3A_291, %iota3A_276 : vector<512x1xi32>
    %ne3A_293 = arith.constant 2047 : i32
    %ne3A_294 = vector.broadcast %ne3A_293 : i32 to vector<512x1xi32>
    %ne3A_295 = arith.cmpi ne, %add3A_292, %ne3A_294 : vector<512x1xi32>
    %sub3A_296 = arith.subf %log3A, %add3A_266 : vector<512x1xf32>
    %jit3A_297 = arith.constant 0.000000e+00 : f32
    %broadcast_in_dim3A_298 = vector.broadcast %jit3A_297 : f32 to vector<512x1xf32>
    %select_n3A_299 = arith.select %ne3A_295, %sub3A_296, %broadcast_in_dim3A_298 : vector<512x1xi1>, vector<512x1xf32>
    %jit3A_300 = arith.constant 4 : i32
    %div3A_301 = arith.divsi %arg0, %jit3A_300 : i32
    %sign3A = arith.constant 0 : i32
    %sign3A_302 = arith.cmpi sgt, %arg0, %sign3A : i32
    %sign3A_303 = arith.extui %sign3A_302 : i1 to i32
    %sign3A_304 = arith.constant 0 : i32
    %sign3A_305 = arith.cmpi slt, %arg0, %sign3A_304 : i32
    %sign3A_306 = arith.extui %sign3A_305 : i1 to i32
    %sign3A_307 = arith.subi %sign3A_303, %sign3A_306 : i32
    %sign3A_308 = arith.constant 0 : i32
    %sign3A_309 = arith.cmpi sgt, %jit3A_300, %sign3A_308 : i32
    %sign3A_310 = arith.extui %sign3A_309 : i1 to i32
    %sign3A_311 = arith.constant 0 : i32
    %sign3A_312 = arith.cmpi slt, %jit3A_300, %sign3A_311 : i32
    %sign3A_313 = arith.extui %sign3A_312 : i1 to i32
    %sign3A_314 = arith.subi %sign3A_310, %sign3A_313 : i32
    %ne3A_315 = arith.cmpi ne, %sign3A_307, %sign3A_314 : i32
    %rem3A_316 = arith.remsi %arg0, %jit3A_300 : i32
    %ne3A_317 = arith.constant 0 : i32
    %ne3A_318 = arith.cmpi ne, %rem3A_316, %ne3A_317 : i32
    %and3A_319 = arith.andi %ne3A_315, %ne3A_318 : i1
    %sub3A_320 = arith.constant 1 : i32
    %sub3A_321 = arith.subi %div3A_301, %sub3A_320 : i32
    %select_n3A_322 = arith.select %and3A_319, %sub3A_321, %div3A_301 : i32
    %get3A_323 = arith.index_cast %select_n3A_322 : i32 to index
    %get3A_324 = arith.constant 0 : index
    %get3A_325 = arith.constant 0 : index
    %get3A_326 = vector.load %arg6[%get3A_323, %get3A_324, %get3A_325] : memref<4x512x1xf32, #tpu.memory_space<vmem>>, vector<1x512x1xf32>
    %get3A_327 = vector.shape_cast %get3A_326 : vector<1x512x1xf32> to vector<512x1xf32>
    %add3A_328 = arith.addf %get3A_327, %add3A_275 : vector<512x1xf32>
    %swap3A = arith.index_cast %select_n3A_322 : i32 to index
    %swap3A_329 = arith.constant 0 : index
    %swap3A_330 = arith.constant 0 : index
    %swap3A_331 = vector.load %arg6[%swap3A, %swap3A_329, %swap3A_330] : memref<4x512x1xf32, #tpu.memory_space<vmem>>, vector<1x512x1xf32>
    %swap3A_332 = vector.shape_cast %swap3A_331 : vector<1x512x1xf32> to vector<512x1xf32>
    %swap3A_333 = vector.shape_cast %add3A_328 : vector<512x1xf32> to vector<1x512x1xf32>
    tpu.vector_store %arg6[%swap3A, %swap3A_329, %swap3A_330], %swap3A_333 {strides = array<i32>} : memref<4x512x1xf32, #tpu.memory_space<vmem>>, vector<1x512x1xf32>,
    %get3A_334 = arith.index_cast %select_n3A_322 : i32 to index
    %get3A_335 = arith.constant 0 : index
    %get3A_336 = arith.constant 0 : index
    %get3A_337 = vector.load %arg7[%get3A_334, %get3A_335, %get3A_336] : memref<4x512x1xf32, #tpu.memory_space<vmem>>, vector<1x512x1xf32>
    %get3A_338 = vector.shape_cast %get3A_337 : vector<1x512x1xf32> to vector<512x1xf32>
    %add3A_339 = arith.addf %get3A_338, %select_n3A_299 : vector<512x1xf32>
    %swap3A_340 = arith.index_cast %select_n3A_322 : i32 to index
    %swap3A_341 = arith.constant 0 : index
    %swap3A_342 = arith.constant 0 : index
    %swap3A_343 = vector.load %arg7[%swap3A_340, %swap3A_341, %swap3A_342] : memref<4x512x1xf32, #tpu.memory_space<vmem>>, vector<1x512x1xf32>
    %swap3A_344 = vector.shape_cast %swap3A_343 : vector<1x512x1xf32> to vector<512x1xf32>
    %swap3A_345 = vector.shape_cast %add3A_339 : vector<512x1xf32> to vector<1x512x1xf32>
    tpu.vector_store %arg7[%swap3A_340, %swap3A_341, %swap3A_342], %swap3A_345 {strides = array<i32>} : memref<4x512x1xf32, #tpu.memory_space<vmem>>, vector<1x512x1xf32>,
    %get3A_346 = arith.constant 0 : index
    %get3A_347 = arith.constant 0 : index
    %get3A_348 = vector.load %arg8[%get3A_346, %get3A_347] : memref<512x1xf32, #tpu.memory_space<vmem>>, vector<512x1xf32>
    %add3A_349 = arith.addf %get3A_348, %exp3A_267 : vector<512x1xf32>
    %swap3A_350 = arith.constant 0 : index
    %swap3A_351 = arith.constant 0 : index
    %swap3A_352 = vector.load %arg8[%swap3A_350, %swap3A_351] : memref<512x1xf32, #tpu.memory_space<vmem>>, vector<512x1xf32>
    tpu.vector_store %arg8[%swap3A_350, %swap3A_351], %add3A_349 {strides = array<i32>} : memref<512x1xf32, #tpu.memory_space<vmem>>, vector<512x1xf32>,
    %eq3A_353 = arith.constant 15 : i32
    %eq3A_354 = arith.cmpi eq, %arg0, %eq3A_353 : i32
    %convert_element_type3A_355 = arith.extui %eq3A_354 : i1 to i32
    %cond3A_356 = arith.constant 0 : i32
    %cond3A_357 = arith.cmpi ne, %convert_element_type3A_355, %cond3A_356 : i32
    scf.if %cond3A_357 {
      %get3A_358 = arith.constant 0 : index
      %get3A_359 = arith.constant 0 : index
      %get3A_360 = vector.load %arg8[%get3A_358, %get3A_359] : memref<512x1xf32, #tpu.memory_space<vmem>>, vector<512x1xf32>
      %reduce_sum3A_361 = vector.shape_cast %get3A_360 : vector<512x1xf32> to vector<1x512x1xf32>
      %reduce_sum3A_362 = arith.constant dense<0.000000e+00> : vector<1xf32>
      %reduce_sum3A_363 = vector.multi_reduction <add>, %reduce_sum3A_361, %reduce_sum3A_362 [1, 2] : vector<1x512x1xf32> to vector<1xf32>
      %reduce_sum3A_364 = vector.shape_cast %reduce_sum3A_363 : vector<1xf32> to vector<1x1x1xf32>
      %reduce_sum3A_365 = vector.extract %reduce_sum3A_364[0, 0, 0] : f32 from vector<1x1x1xf32>
      %div3A_366 = arith.constant 8.192000e+03 : f32
      %div3A_367 = arith.divf %reduce_sum3A_365, %div3A_366 : f32
      %sub3A_368 = arith.constant 5.000000e-01 : f32
      %sub3A_369 = arith.subf %sub3A_368, %div3A_367 : f32
      %mul3A_370 = arith.constant 5.000000e-01 : f32
      %mul3A_371 = arith.mulf %mul3A_370, %sub3A_369 : f32
      %add3A_372 = arith.constant 1.000000e+00 : f32
      %add3A_373 = arith.addf %add3A_372, %mul3A_371 : f32
      %jit3A_374 = arith.constant 2.500000e-01 : f32
      %jit3A_375 = arith.constant 1.000000e+00 : f32
      %max3A_376 = arith.maximumf %jit3A_374, %add3A_373 : f32
      %min3A = arith.minimumf %jit3A_375, %max3A_376 : f32
      %mul3A_377 = arith.constant 4.000000e+00 : f32
      %mul3A_378 = arith.mulf %mul3A_377, %min3A : f32
      %floor3A = math.floor %mul3A_378 : f32
      %convert_element_type3A_379 = arith.fptosi %floor3A : f32 to i32
      %max3A_380 = arith.constant 1 : i32
      %max3A_381 = arith.maxsi %max3A_380, %convert_element_type3A_379 : i32
      %get3A_382 = arith.constant 0 : index
      %get3A_383 = arith.constant 0 : index
      %get3A_384 = arith.constant 0 : index
      %get3A_385 = vector.load %arg6[%get3A_382, %get3A_383, %get3A_384] : memref<4x512x1xf32, #tpu.memory_space<vmem>>, vector<1x512x1xf32>
      %get3A_386 = vector.shape_cast %get3A_385 : vector<1x512x1xf32> to vector<512x1xf32>
      %reduce_sum3A_387 = vector.shape_cast %get3A_386 : vector<512x1xf32> to vector<1x512x1xf32>
      %reduce_sum3A_388 = arith.constant dense<0.000000e+00> : vector<1xf32>
      %reduce_sum3A_389 = vector.multi_reduction <add>, %reduce_sum3A_387, %reduce_sum3A_388 [1, 2] : vector<1x512x1xf32> to vector<1xf32>
      %reduce_sum3A_390 = vector.shape_cast %reduce_sum3A_389 : vector<1xf32> to vector<1x1x1xf32>
      %reduce_sum3A_391 = vector.extract %reduce_sum3A_390[0, 0, 0] : f32 from vector<1x1x1xf32>
      %get3A_392 = arith.constant 1 : index
      %get3A_393 = arith.constant 0 : index
      %get3A_394 = arith.constant 0 : index
      %get3A_395 = vector.load %arg6[%get3A_392, %get3A_393, %get3A_394] : memref<4x512x1xf32, #tpu.memory_space<vmem>>, vector<1x512x1xf32>
      %get3A_396 = vector.shape_cast %get3A_395 : vector<1x512x1xf32> to vector<512x1xf32>
      %reduce_sum3A_397 = vector.shape_cast %get3A_396 : vector<512x1xf32> to vector<1x512x1xf32>
      %reduce_sum3A_398 = arith.constant dense<0.000000e+00> : vector<1xf32>
      %reduce_sum3A_399 = vector.multi_reduction <add>, %reduce_sum3A_397, %reduce_sum3A_398 [1, 2] : vector<1x512x1xf32> to vector<1xf32>
      %reduce_sum3A_400 = vector.shape_cast %reduce_sum3A_399 : vector<1xf32> to vector<1x1x1xf32>
      %reduce_sum3A_401 = vector.extract %reduce_sum3A_400[0, 0, 0] : f32 from vector<1x1x1xf32>
      %get3A_402 = arith.constant 2 : index
      %get3A_403 = arith.constant 0 : index
      %get3A_404 = arith.constant 0 : index
      %get3A_405 = vector.load %arg6[%get3A_402, %get3A_403, %get3A_404] : memref<4x512x1xf32, #tpu.memory_space<vmem>>, vector<1x512x1xf32>
      %get3A_406 = vector.shape_cast %get3A_405 : vector<1x512x1xf32> to vector<512x1xf32>
      %reduce_sum3A_407 = vector.shape_cast %get3A_406 : vector<512x1xf32> to vector<1x512x1xf32>
      %reduce_sum3A_408 = arith.constant dense<0.000000e+00> : vector<1xf32>
      %reduce_sum3A_409 = vector.multi_reduction <add>, %reduce_sum3A_407, %reduce_sum3A_408 [1, 2] : vector<1x512x1xf32> to vector<1xf32>
      %reduce_sum3A_410 = vector.shape_cast %reduce_sum3A_409 : vector<1xf32> to vector<1x1x1xf32>
      %reduce_sum3A_411 = vector.extract %reduce_sum3A_410[0, 0, 0] : f32 from vector<1x1x1xf32>
      %get3A_412 = arith.constant 3 : index
      %get3A_413 = arith.constant 0 : index
      %get3A_414 = arith.constant 0 : index
      %get3A_415 = vector.load %arg6[%get3A_412, %get3A_413, %get3A_414] : memref<4x512x1xf32, #tpu.memory_space<vmem>>, vector<1x512x1xf32>
      %get3A_416 = vector.shape_cast %get3A_415 : vector<1x512x1xf32> to vector<512x1xf32>
      %reduce_sum3A_417 = vector.shape_cast %get3A_416 : vector<512x1xf32> to vector<1x512x1xf32>
      %reduce_sum3A_418 = arith.constant dense<0.000000e+00> : vector<1xf32>
      %reduce_sum3A_419 = vector.multi_reduction <add>, %reduce_sum3A_417, %reduce_sum3A_418 [1, 2] : vector<1x512x1xf32> to vector<1xf32>
      %reduce_sum3A_420 = vector.shape_cast %reduce_sum3A_419 : vector<1xf32> to vector<1x1x1xf32>
      %reduce_sum3A_421 = vector.extract %reduce_sum3A_420[0, 0, 0] : f32 from vector<1x1x1xf32>
      %get3A_422 = arith.constant 0 : index
      %get3A_423 = arith.constant 0 : index
      %get3A_424 = arith.constant 0 : index
      %get3A_425 = vector.load %arg7[%get3A_422, %get3A_423, %get3A_424] : memref<4x512x1xf32, #tpu.memory_space<vmem>>, vector<1x512x1xf32>
      %get3A_426 = vector.shape_cast %get3A_425 : vector<1x512x1xf32> to vector<512x1xf32>
      %reduce_sum3A_427 = vector.shape_cast %get3A_426 : vector<512x1xf32> to vector<1x512x1xf32>
      %reduce_sum3A_428 = arith.constant dense<0.000000e+00> : vector<1xf32>
      %reduce_sum3A_429 = vector.multi_reduction <add>, %reduce_sum3A_427, %reduce_sum3A_428 [1, 2] : vector<1x512x1xf32> to vector<1xf32>
      %reduce_sum3A_430 = vector.shape_cast %reduce_sum3A_429 : vector<1xf32> to vector<1x1x1xf32>
      %reduce_sum3A_431 = vector.extract %reduce_sum3A_430[0, 0, 0] : f32 from vector<1x1x1xf32>
      %get3A_432 = arith.constant 1 : index
      %get3A_433 = arith.constant 0 : index
      %get3A_434 = arith.constant 0 : index
      %get3A_435 = vector.load %arg7[%get3A_432, %get3A_433, %get3A_434] : memref<4x512x1xf32, #tpu.memory_space<vmem>>, vector<1x512x1xf32>
      %get3A_436 = vector.shape_cast %get3A_435 : vector<1x512x1xf32> to vector<512x1xf32>
      %reduce_sum3A_437 = vector.shape_cast %get3A_436 : vector<512x1xf32> to vector<1x512x1xf32>
      %reduce_sum3A_438 = arith.constant dense<0.000000e+00> : vector<1xf32>
      %reduce_sum3A_439 = vector.multi_reduction <add>, %reduce_sum3A_437, %reduce_sum3A_438 [1, 2] : vector<1x512x1xf32> to vector<1xf32>
      %reduce_sum3A_440 = vector.shape_cast %reduce_sum3A_439 : vector<1xf32> to vector<1x1x1xf32>
      %reduce_sum3A_441 = vector.extract %reduce_sum3A_440[0, 0, 0] : f32 from vector<1x1x1xf32>
      %get3A_442 = arith.constant 2 : index
      %get3A_443 = arith.constant 0 : index
      %get3A_444 = arith.constant 0 : index
      %get3A_445 = vector.load %arg7[%get3A_442, %get3A_443, %get3A_444] : memref<4x512x1xf32, #tpu.memory_space<vmem>>, vector<1x512x1xf32>
      %get3A_446 = vector.shape_cast %get3A_445 : vector<1x512x1xf32> to vector<512x1xf32>
      %reduce_sum3A_447 = vector.shape_cast %get3A_446 : vector<512x1xf32> to vector<1x512x1xf32>
      %reduce_sum3A_448 = arith.constant dense<0.000000e+00> : vector<1xf32>
      %reduce_sum3A_449 = vector.multi_reduction <add>, %reduce_sum3A_447, %reduce_sum3A_448 [1, 2] : vector<1x512x1xf32> to vector<1xf32>
      %reduce_sum3A_450 = vector.shape_cast %reduce_sum3A_449 : vector<1xf32> to vector<1x1x1xf32>
      %reduce_sum3A_451 = vector.extract %reduce_sum3A_450[0, 0, 0] : f32 from vector<1x1x1xf32>
      %get3A_452 = arith.constant 3 : index
      %get3A_453 = arith.constant 0 : index
      %get3A_454 = arith.constant 0 : index
      %get3A_455 = vector.load %arg7[%get3A_452, %get3A_453, %get3A_454] : memref<4x512x1xf32, #tpu.memory_space<vmem>>, vector<1x512x1xf32>
      %get3A_456 = vector.shape_cast %get3A_455 : vector<1x512x1xf32> to vector<512x1xf32>
      %reduce_sum3A_457 = vector.shape_cast %get3A_456 : vector<512x1xf32> to vector<1x512x1xf32>
      %reduce_sum3A_458 = arith.constant dense<0.000000e+00> : vector<1xf32>
      %reduce_sum3A_459 = vector.multi_reduction <add>, %reduce_sum3A_457, %reduce_sum3A_458 [1, 2] : vector<1x512x1xf32> to vector<1xf32>
      %reduce_sum3A_460 = vector.shape_cast %reduce_sum3A_459 : vector<1xf32> to vector<1x1x1xf32>
      %reduce_sum3A_461 = vector.extract %reduce_sum3A_460[0, 0, 0] : f32 from vector<1x1x1xf32>
      %gt3A = arith.cmpf ogt, %reduce_sum3A_401, %reduce_sum3A_391 : f32
      %eq3A_462 = arith.cmpf oeq, %reduce_sum3A_401, %reduce_sum3A_391 : f32
      %and3A_463 = arith.constant false
      %and3A_464 = arith.andi %eq3A_462, %and3A_463 : i1
      %or3A = arith.ori %gt3A, %and3A_464 : i1
      %convert_element_type3A_465 = arith.extui %or3A : i1 to i32
      %add3A_466 = arith.constant 0 : i32
      %add3A_467 = arith.addi %add3A_466, %convert_element_type3A_465 : i32
      %gt3A_468 = arith.cmpf ogt, %reduce_sum3A_411, %reduce_sum3A_391 : f32
      %eq3A_469 = arith.cmpf oeq, %reduce_sum3A_411, %reduce_sum3A_391 : f32
      %and3A_470 = arith.constant false
      %and3A_471 = arith.andi %eq3A_469, %and3A_470 : i1
      %or3A_472 = arith.ori %gt3A_468, %and3A_471 : i1
      %convert_element_type3A_473 = arith.extui %or3A_472 : i1 to i32
      %add3A_474 = arith.addi %add3A_467, %convert_element_type3A_473 : i32
      %gt3A_475 = arith.cmpf ogt, %reduce_sum3A_421, %reduce_sum3A_391 : f32
      %eq3A_476 = arith.cmpf oeq, %reduce_sum3A_421, %reduce_sum3A_391 : f32
      %and3A_477 = arith.constant false
      %and3A_478 = arith.andi %eq3A_476, %and3A_477 : i1
      %or3A_479 = arith.ori %gt3A_475, %and3A_478 : i1
      %convert_element_type3A_480 = arith.extui %or3A_479 : i1 to i32
      %add3A_481 = arith.addi %add3A_474, %convert_element_type3A_480 : i32
      %lt3A_482 = arith.cmpi slt, %add3A_481, %max3A_381 : i32
      %jit3A_483 = arith.constant 0.000000e+00 : f32
      %select_n3A_484 = arith.select %lt3A_482, %reduce_sum3A_431, %jit3A_483 : f32
      %add3A_485 = arith.constant 0.000000e+00 : f32
      %add3A_486 = arith.addf %add3A_485, %select_n3A_484 : f32
      %gt3A_487 = arith.cmpf ogt, %reduce_sum3A_391, %reduce_sum3A_401 : f32
      %eq3A_488 = arith.cmpf oeq, %reduce_sum3A_391, %reduce_sum3A_401 : f32
      %and3A_489 = arith.constant true
      %and3A_490 = arith.andi %eq3A_488, %and3A_489 : i1
      %or3A_491 = arith.ori %gt3A_487, %and3A_490 : i1
      %convert_element_type3A_492 = arith.extui %or3A_491 : i1 to i32
      %add3A_493 = arith.constant 0 : i32
      %add3A_494 = arith.addi %add3A_493, %convert_element_type3A_492 : i32
      %gt3A_495 = arith.cmpf ogt, %reduce_sum3A_411, %reduce_sum3A_401 : f32
      %eq3A_496 = arith.cmpf oeq, %reduce_sum3A_411, %reduce_sum3A_401 : f32
      %and3A_497 = arith.constant false
      %and3A_498 = arith.andi %eq3A_496, %and3A_497 : i1
      %or3A_499 = arith.ori %gt3A_495, %and3A_498 : i1
      %convert_element_type3A_500 = arith.extui %or3A_499 : i1 to i32
      %add3A_501 = arith.addi %add3A_494, %convert_element_type3A_500 : i32
      %gt3A_502 = arith.cmpf ogt, %reduce_sum3A_421, %reduce_sum3A_401 : f32
      %eq3A_503 = arith.cmpf oeq, %reduce_sum3A_421, %reduce_sum3A_401 : f32
      %and3A_504 = arith.constant false
      %and3A_505 = arith.andi %eq3A_503, %and3A_504 : i1
      %or3A_506 = arith.ori %gt3A_502, %and3A_505 : i1
      %convert_element_type3A_507 = arith.extui %or3A_506 : i1 to i32
      %add3A_508 = arith.addi %add3A_501, %convert_element_type3A_507 : i32
      %lt3A_509 = arith.cmpi slt, %add3A_508, %max3A_381 : i32
      %jit3A_510 = arith.constant 0.000000e+00 : f32
      %select_n3A_511 = arith.select %lt3A_509, %reduce_sum3A_441, %jit3A_510 : f32
      %add3A_512 = arith.addf %add3A_486, %select_n3A_511 : f32
      %gt3A_513 = arith.cmpf ogt, %reduce_sum3A_391, %reduce_sum3A_411 : f32
      %eq3A_514 = arith.cmpf oeq, %reduce_sum3A_391, %reduce_sum3A_411 : f32
      %and3A_515 = arith.constant true
      %and3A_516 = arith.andi %eq3A_514, %and3A_515 : i1
      %or3A_517 = arith.ori %gt3A_513, %and3A_516 : i1
      %convert_element_type3A_518 = arith.extui %or3A_517 : i1 to i32
      %add3A_519 = arith.constant 0 : i32
      %add3A_520 = arith.addi %add3A_519, %convert_element_type3A_518 : i32
      %gt3A_521 = arith.cmpf ogt, %reduce_sum3A_401, %reduce_sum3A_411 : f32
      %eq3A_522 = arith.cmpf oeq, %reduce_sum3A_401, %reduce_sum3A_411 : f32
      %and3A_523 = arith.constant true
      %and3A_524 = arith.andi %eq3A_522, %and3A_523 : i1
      %or3A_525 = arith.ori %gt3A_521, %and3A_524 : i1
      %convert_element_type3A_526 = arith.extui %or3A_525 : i1 to i32
      %add3A_527 = arith.addi %add3A_520, %convert_element_type3A_526 : i32
      %gt3A_528 = arith.cmpf ogt, %reduce_sum3A_421, %reduce_sum3A_411 : f32
      %eq3A_529 = arith.cmpf oeq, %reduce_sum3A_421, %reduce_sum3A_411 : f32
      %and3A_530 = arith.constant false
      %and3A_531 = arith.andi %eq3A_529, %and3A_530 : i1
      %or3A_532 = arith.ori %gt3A_528, %and3A_531 : i1
      %convert_element_type3A_533 = arith.extui %or3A_532 : i1 to i32
      %add3A_534 = arith.addi %add3A_527, %convert_element_type3A_533 : i32
      %lt3A_535 = arith.cmpi slt, %add3A_534, %max3A_381 : i32
      %jit3A_536 = arith.constant 0.000000e+00 : f32
      %select_n3A_537 = arith.select %lt3A_535, %reduce_sum3A_451, %jit3A_536 : f32
      %add3A_538 = arith.addf %add3A_512, %select_n3A_537 : f32
      %gt3A_539 = arith.cmpf ogt, %reduce_sum3A_391, %reduce_sum3A_421 : f32
      %eq3A_540 = arith.cmpf oeq, %reduce_sum3A_391, %reduce_sum3A_421 : f32
      %and3A_541 = arith.constant true
      %and3A_542 = arith.andi %eq3A_540, %and3A_541 : i1
      %or3A_543 = arith.ori %gt3A_539, %and3A_542 : i1
      %convert_element_type3A_544 = arith.extui %or3A_543 : i1 to i32
      %add3A_545 = arith.constant 0 : i32
      %add3A_546 = arith.addi %add3A_545, %convert_element_type3A_544 : i32
      %gt3A_547 = arith.cmpf ogt, %reduce_sum3A_401, %reduce_sum3A_421 : f32
      %eq3A_548 = arith.cmpf oeq, %reduce_sum3A_401, %reduce_sum3A_421 : f32
      %and3A_549 = arith.constant true
      %and3A_550 = arith.andi %eq3A_548, %and3A_549 : i1
      %or3A_551 = arith.ori %gt3A_547, %and3A_550 : i1
      %convert_element_type3A_552 = arith.extui %or3A_551 : i1 to i32
      %add3A_553 = arith.addi %add3A_546, %convert_element_type3A_552 : i32
      %gt3A_554 = arith.cmpf ogt, %reduce_sum3A_411, %reduce_sum3A_421 : f32
      %eq3A_555 = arith.cmpf oeq, %reduce_sum3A_411, %reduce_sum3A_421 : f32
      %and3A_556 = arith.constant true
      %and3A_557 = arith.andi %eq3A_555, %and3A_556 : i1
      %or3A_558 = arith.ori %gt3A_554, %and3A_557 : i1
      %convert_element_type3A_559 = arith.extui %or3A_558 : i1 to i32
      %add3A_560 = arith.addi %add3A_553, %convert_element_type3A_559 : i32
      %lt3A_561 = arith.cmpi slt, %add3A_560, %max3A_381 : i32
      %jit3A_562 = arith.constant 0.000000e+00 : f32
      %select_n3A_563 = arith.select %lt3A_561, %reduce_sum3A_461, %jit3A_562 : f32
      %add3A_564 = arith.addf %add3A_538, %select_n3A_563 : f32
      %convert_element_type3A_565 = arith.sitofp %max3A_381 : i32 to f32
      %mul3A_566 = arith.constant 2.047000e+03 : f32
      %mul3A_567 = arith.mulf %convert_element_type3A_565, %mul3A_566 : f32
      %div3A_568 = arith.divf %add3A_564, %mul3A_567 : f32
      %swap3A_569 = arith.constant 0 : index
      %swap3A_570 = memref.load %arg5[%swap3A_569] : memref<1xf32, #tpu.memory_space<smem>>
      memref.store %div3A_568, %arg5[%swap3A_569] : memref<1xf32, #tpu.memory_space<smem>>
    } else {
    }
    return
  }
  func.func @transform_0(%arg0: i32) -> (i32, i32, i32) {
    %c0_i32 = arith.constant 0 : i32
    %c0_i32_0 = arith.constant 0 : i32
    %c0_i32_1 = arith.constant 0 : i32
    return %arg0, %c0_i32, %c0_i32_0 : i32, i32, i32
  }
  func.func @transform_1(%arg0: i32) -> (i32, i32, i32) {
    %add3A = arith.constant 1 : i32
    %add3A_0 = arith.addi %arg0, %add3A : i32
    %min3A = arith.constant 15 : i32
    %min3A_1 = arith.minsi %add3A_0, %min3A : i32
    %c0_i32 = arith.constant 0 : i32
    %c0_i32_2 = arith.constant 0 : i32
    %c0_i32_3 = arith.constant 0 : i32
    return %min3A_1, %c0_i32, %c0_i32_2 : i32, i32, i32
  }
  func.func @transform_2(%arg0: i32) -> (i32, i32) {
    %c0_i32 = arith.constant 0 : i32
    %c0_i32_0 = arith.constant 0 : i32
    return %arg0, %c0_i32 : i32, i32
  }
  func.func @transform_3(%arg0: i32) -> (i32, i32) {
    %c0_i32 = arith.constant 0 : i32
    %c0_i32_0 = arith.constant 0 : i32
    %c0_i32_1 = arith.constant 0 : i32
    return %c0_i32, %c0_i32_0 : i32, i32
  }
  func.func @transform_4(%arg0: i32) -> i32 {
    %c0_i32 = arith.constant 0 : i32
    %c0_i32_0 = arith.constant 0 : i32
    return %c0_i32 : i32
  }
}

</mosaic_0001>

<sc_bundles>
// kernel: kernel.4.cloned.1.call-start
scs
__scs_entry_jumppad:
0x0: {  	(pc) =	sbr.rel $0x88, $3  }
0x1: {  	(tag) =	ssettag $0x0;
	lr =	simm.s32 $0x1  }
0x2: {  	[smem:$0x3F9D] =	sst lr;
	_ =	strace $0xD0000000  }
0x3: {  	_ = 	snop  }
0x4: {  	_ = 	snop  }
0x5: {  	_ = 	snop  }
0x6: {  	_ = 	snop  }
0x7: {  	_ = 	snop  }
__scs_overlays_trampoline_lowered:
0x8: {  	[smem:$0x3FAC] =	sst s0  }
0x9: {  	[smem:$0x3FAD] =	sst s1  }
0xa: {  	[smem:$0x3FAE] =	sst s2  }
0xb: {  	[smem:$0x3FAF] =	sst s3  }
0xc: {  	[smem:$0x3FB0] =	sst s4  }
0xd: {  	[smem:$0x3FB1] =	sst s5  }
0xe: {  	[smem:$0x3FB2] =	sst s6  }
0xf: {  	[smem:$0x3FB3] =	sst s7  }
0x10: {  	[smem:$0x3FB4] =	sst s8  }
0x11: {  	[smem:$0x3FB5] =	sst s9;
	s0 =	simm.s32 @!p0 $0x0  }
0x12: {  	s1 =	sld [smem:$0x3F9B];
	s0 =	simm.s32 @p0 $0x1  }
0x13: {  	[smem:$0x3FB6] =	sst s0;
	s0 =	simm.s32 @!p1 $0x0  }
0x14: {  	s2 =	sld [smem:$0x3F9A];
	s0 =	simm.s32 @p1 $0x1  }
0x15: {  	[smem:$0x3FB7] =	sst s0;
	s0 =	simm.s32 @!p2 $0x0  }
0x16: {  	s3 =	sld [smem:$0x3FDB];
	s0 =	simm.s32 @p2 $0x1  }
0x17: {  	s4 =	simm.s32 $0x1BF5;
	[smem:$0x3FB9] =	sst s0  }
0x18: {  	s0 =	sld [smem:$0x3F9C];
	_ =	swait.ge [sflag:s4], $0x0  }
0x19: {  	s7 =	sld [smem:$0x3F9D]  }
0x1a: {  	s8 =	sadd.s32 $0xFFFFE003, lr  }
0x1b: {  	s9 =	sadd.s32 $0xFFFFFEF7, lr;
	s5 =	simm.s32 $0xFFFFFFFF;
	p2 =	slt.u32 s8, $0xFFFFF086  }
0x1c: {  	p1 =	slt.u32 s9, $0xF7A;
	s5 =	simm.s32 @!p2 $0x0  }
0x1d: {  	s5 =	simm.s32 @p1 $0x1;
	p0 =	seq.s32 s7, s2  }
0x1e: {  	s7 =	smul.u32 @!p0 $0xF7A, s2;
	p2 =	seq.s32 @!p0 s5, $0x0  }
0x1f: {  	s9 =	smul.u32 $0xF7A, s1;
	s8 =	simm.s32 @!p0 $0x1BF5;
	p2 =	por !p2, p0  }
0x20: {  	[sflag:s8] =	ssyncset.s32 @!p0 $0xFFFFF086;
	s6 =	sadd.s32 @!p0 s3, s7;
	s7 =	simm.s32 @!p0 $0x108  }
0x21: {  	s3 =	sadd.s32 s3, s9;
	s6 =	sadd.s32 @!p0 $0x88, s6;
	s7 =	simm.s32 @p2 $0x1082  }
0x22: {  	[simem:s7], [sflag:s8] =	dma.local @!p0 [hbm:s6], $0xF7A  }
0x23: {  	s9 =	sor.u32 $0xD0000000, s2;
	s6 =	simm.s32 $0x108;
	_ =	swait.ge @!p0 [sflag:s8], $0x0  }
0x24: {  	s3 =	sadd.s32 $0x88, s3;
	s6 =	simm.s32 @!p1 $0x1082;
	[sflag:s4] =	ssyncset.s32 $0xFFFFF086  }
0x25: {  	[simem:s6], [sflag:s4] =	dma.local [hbm:s3], $0xF7A  }
0x26: {  	[smem:$0x3F9D] =	sst s1;
	(tag) =	ssettag s2;
	_ =	strace s9  }
0x27: {  	s1 =	sld [smem:$0x3FAD]  }
0x28: {  	s2 =	sld [smem:$0x3FAE]  }
0x29: {  	s4 =	sld [smem:$0x3FB0]  }
0x2a: {  	p0 =	seq.s32 s5, $0x0;
	s5 =	sld [smem:$0x3FB1]  }
0x2b: {  	s6 =	sld [smem:$0x3FB2]  }
0x2c: {  	s7 =	sld [smem:$0x3FB3]  }
0x2d: {  	s3 =	simm.s32 $0x108;
	s8 =	sld [smem:$0x3FB4]  }
0x2e: {  	s3 =	simm.s32 @!p0 $0x1082;
	s9 =	sld [smem:$0x3FB5]  }
0x2f: {  	lr =	sadd.s32 s0, s3;
	s0 =	sld [smem:$0x3FAC]  }
0x30: {  	s3 =	sld [smem:$0x3FAF]  }
0x31: {  	[smem:$0x3FB8] =	sst s10  }
0x32: {  	s10 =	sld [smem:$0x3FB6];
	_ =	sdelay $0x3  }
0x33: {  	p0 =	seq.s32 s10, $0x1;
	s10 =	sld [smem:$0x3FB8];
	_ =	sdelay $0x3  }
0x34: {  	[smem:$0x3FB8] =	sst s10  }
0x35: {  	s10 =	sld [smem:$0x3FB7];
	_ =	sdelay $0x3  }
0x36: {  	p1 =	seq.s32 s10, $0x1;
	s10 =	sld [smem:$0x3FB8];
	_ =	sdelay $0x3  }
0x37: {  	[smem:$0x3FB8] =	sst s10  }
0x38: {  	s10 =	sld [smem:$0x3FB9]  }
0x39: {  	_ = 	snop;
	(pc) =	sbr.ind lr, $3  }
0x3a: {  	_ = 	snop  }
0x3b: {  	_ = 	snop  }
0x3c: {  	p2 =	seq.s32 s10, $0x1;
	s10 =	sld [smem:$0x3FB8]  }
0x3d: {  	_ =	shalt  }
0x3e: {  	_ =	shalt  }
0x3f: {  	_ =	shalt  }
0x40: {  	_ =	shalt  }
0x41: {  	_ =	shalt  }
0x42: {  	_ =	shalt  }
0x43: {  	_ =	shalt  }
0x44: {  	_ =	shalt  }
0x45: {  	_ =	shalt  }
0x46: {  	_ =	shalt  }
0x47: {  	_ =	shalt  }
0x48: {  	_ =	shalt  }
0x49: {  	_ =	shalt  }
0x4a: {  	_ =	shalt  }
0x4b: {  	_ =	shalt  }
0x4c: {  	_ =	shalt  }
0x4d: {  	_ =	shalt  }
0x4e: {  	_ =	shalt  }
0x4f: {  	_ =	shalt  }
0x50: {  	_ =	shalt  }
0x51: {  	_ =	shalt  }
0x52: {  	_ =	shalt  }
0x53: {  	_ =	shalt  }
0x54: {  	_ =	shalt  }
0x55: {  	_ =	shalt  }
0x56: {  	_ =	shalt  }
0x57: {  	_ =	shalt  }
0x58: {  	_ =	shalt  }
0x59: {  	_ =	shalt  }
0x5a: {  	_ =	shalt  }
0x5b: {  	_ =	shalt  }
0x5c: {  	_ =	shalt  }
0x5d: {  	_ =	shalt  }
0x5e: {  	_ =	shalt  }
0x5f: {  	_ =	shalt  }
0x60: {  	_ =	shalt  }
0x61: {  	_ =	shalt  }
0x62: {  	_ =	shalt  }
0x63: {  	_ =	shalt  }
0x64: {  	_ =	shalt  }
0x65: {  	_ =	shalt  }
0x66: {  	_ =	shalt  }
0x67: {  	_ =	shalt  }
0x68: {  	_ =	shalt  }
0x69: {  	_ =	shalt  }
0x6a: {  	_ =	shalt  }
0x6b: {  	_ =	shalt  }
0x6c: {  	_ =	shalt  }
0x6d: {  	_ =	shalt  }
0x6e: {  	_ =	shalt  }
0x6f: {  	_ =	shalt  }
0x70: {  	_ =	shalt  }
0x71: {  	_ =	shalt  }
0x72: {  	_ =	shalt  }
0x73: {  	_ =	shalt  }
0x74: {  	_ =	shalt  }
0x75: {  	_ =	shalt  }
0x76: {  	_ =	shalt  }
0x77: {  	_ =	shalt  }
0x78: {  	_ =	shalt  }
0x79: {  	_ =	shalt  }
0x7a: {  	_ =	shalt  }
0x7b: {  	_ =	shalt  }
0x7c: {  	_ =	shalt  }
0x7d: {  	_ =	shalt  }
0x7e: {  	_ =	shalt  }
0x7f: {  	_ =	shalt  }
0x80: {  	_ =	shalt  }
0x81: {  	_ =	shalt  }
0x82: {  	_ =	shalt  }
0x83: {  	_ =	shalt  }
0x84: {  	_ =	shalt  }
0x85: {  	_ =	shalt  }
0x86: {  	_ =	shalt  }
0x87: {  	_ =	shalt  }
.Lfunc_end0:
.L_simem_size_0:
called_computation_lowered:
.L_overlay_start_0:
0x88: {  	s2 =	sld [smem:$0x3FD9]  }
0x89: {  	s3 =	sld [smem:$0x3FFE];
	_ =	sdelay $0x1  }
0x8a: {  	s1 =	srdreg.scid  }
0x8b: {  	s0 =	sand.u32 $0x1, s1  }
0x8c: {  	s17 =	sshll.u32 s0, $0xA;
	s2 =	sadd.s32 s3, s2  }
0x8d: {  	s2 =	sadd.s32 s2, s17  }
0x8e: {  	[smem:$0x3FC4] =	sst s2  }
0x8f: {  	_ = 	snop  }
0x90: {  	s2 =	sld [smem:$0x3FC7];
	(tm) =	ssettm $0x1  }
0x91: {  	s18 =	sld [smem:$0x3FFB];
	_ =	sdelay $0x3  }
0x92: {  	_ =	strace s18  }
0x93: {  	s3 =	sld [smem:$0x3FFC];
	_ =	sdelay $0x3  }
0x94: {  	_ =	strace s3  }
0x95: {  	s3 =	sld [smem:$0x3FFD];
	_ =	sdelay $0x3  }
0x96: {  	_ =	strace s3  }
0x97: {  	_ =	strace $0x8FFFFFFF  }
0x98: {  	s19 =	sld [smem:$0x3FDB];
	_ =	sdelay $0x1  }
0x99: {  	s4 =	simm.s32 $_scs_section_size  }
0x9a: {  	s5 =	simm.s32 $_size__tile_overlayer_lowered;
	s6 =	simm.s32 $_tile_overlayer_lowered  }
0x9b: {  	s22 =	simm.s32 $0x1BFF;
	s21 =	sshll.u32 s6, $0x1;
	s3 =	sadd.s32 s4, s19  }
0x9c: {  	s7 =	simm.s32 $0x0;
	s20 =	sshll.u32 s5, $0x1;
	s5 =	sadd.s32 s21, s3  }
0x9d: {  	[timem:s7], [sflag:s22] =	dma.local [hbm:s5], s20  }
0x9e: {  	_ =	swait.ge [sflag:s22], s20  }
0x9f: {  	s4 =	ssub.s32 $0x0, s20;
	[sflag:s22] =	ssyncset.done $0x0  }
0xa0: {  	[sflag:s22] =	ssyncadd.s32 s4;
	_ =	sdelay $0x1  }
0xa1: {  	s23 =	simm.s32 $0x1B8B  }
0xa2: {  	_ =	swait.ge [sflag:s23], $0x1  }
0xa3: {  	[sflag:s23] =	ssyncset.done $0x0  }
0xa4: {  	s25 =	simm.s32 $0x1B8E;
	s24 =	sld [smem:$0x3FFE];
	[sflag:s23] =	ssyncadd.s32 $0xFFFFFFFF  }
0xa5: {  	s26 =	simm.s32 $execute0_lowered;
	[smem:$0x3FD2] =	sst s25  }
0xa6: {  	s5 =	sshll.u32 s26, $0x1;
	_ =	strace $0x80000046;
	[dreg:$0x1] =	wrdreg $0xFFFFFFFF  }
0xa7: {  	s28 =	simm.s32 $_size_execute0_lowered;
	s3 =	sadd.s32 s3, s5;
	[dreg:$0x0] =	wrdreg $0x0  }
0xa8: {  	s5 =	sshll.u32 s28, $0x1;
	[dreg:$0x2] =	wrdreg s3  }
0xa9: {  	[dreg:$0x3] =	wrdreg s5  }
0xaa: {  	[dreg:$0x4] =	wrdreg $0xC0  }
0xab: {  	_ =	task [dreg:s7], $0x5FFFF  }
0xac: {  	[dreg:$0x1] =	wrdreg $0xFFFFFFFF  }
0xad: {  	[dreg:$0x0] =	wrdreg $0x60  }
0xae: {  	[dreg:$0x2] =	wrdreg s2  }
0xaf: {  	[dreg:$0x3] =	wrdreg s24  }
0xb0: {  	[dreg:$0x4] =	wrdreg $0x9  }
0xb1: {  	_ =	task.clear_ibuf [dreg:s7], $0x5FFFF;
	_ =	strace $0x90000046  }
0xb2: {  	s29 =	simm.s32 $0x9;
	_ =	strace $0x80000048  }
0xb3: {  	_ =	swait.ge [sflag:s29], $0x1  }
0xb4: {  	[sflag:s29] =	ssyncadd.s32 $0xFFFFFFFF  }
0xb5: {  	_ =	strace $0x90000048  }
0xb6: {  	_ =	sfence  }
0xb7: {  	s30 =	sld [smem:$0x0];
	_ =	sdelay $0x2  }
0xb8: {  	s31 =	sshll.u32 s1, $0xD;
	s1 =	sshrl.u32 s1, $0x2  }
0xb9: {  	s3 =	sand.u32 $0x4000, s31;
	s1 =	sadd.s32 s1, s30  }
0xba: {  	s0 =	sor.u32 s3, s0;
	s1 =	sshll.u32 s1, $0x11  }
0xbb: {  	s0 =	sor.u32 s1, s0  }
0xbc: {  	s0 =	sadd.s32 $0x8F2B, s0  }
0xbd: {  	[sflag:s0] =	ssyncadd.remote.s32 $0x1  }
0xbe: {  	_ =	sfence.sel $0xFFFF  }
0xbf: {  	[dreg:$0x0] =	wrdreg $0xFFFFFFFF;
	(pc) =	sbr.abs _section_cstart, $3  }
0xc0: {  	[dreg:$0x1] =	wrdreg $0xFFFFFFFF  }
0xc1: {  	_ =	task.clear_ibuf [dreg:s7], $0x2FFFF;
	_ =	strace $0x9FFFFFFF  }
0xc2: {  	(tm) =	ssettm $0x7FFFFFFF  }
0xc3: {  	_ =	shalt  }
tec
execute0_lowered:
.L_overlay_start_1:
0x0: {  	(tag) =	ssettag $0x1  }
0x1: {  	s0 =	srdreg.scid  }
0x2: {  	s1 =	stileid.u32;
	s2 =	rddreg [dreg:$0x0]  }
0x3: {  	s4 =	rddreg [dreg:$0x1];
	s9 =	simm.s32 $0x100;
	s17 =	simm.s32 $0x1  }
0x4: {  	s18 =	simm.s32 $0x3;
	s19 =	simm.s32 $0x2;
	s28 =	simm.s32 $0x2900  }
0x5: {  	s29 =	simm.s32 $0x3100;
	s30 =	simm.s32 $0x3900;
	s0 =	sand.u32 $0x1, s0  }
0x6: {  	s31 =	simm.s32 $0x4100;
	s1 =	sshll.u32 s1, $0x9;
	s3 =	sshll.u32 s0, $0x8  }
0x7: {  	s15 =	simm.s32 $0x5100;
	s8 =	simm.s32 $0x5900;
	s1 =	sor.u32 s3, s1  }
0x8: {  	s10 =	simm.s32 $0x6100;
	s11 =	simm.s32 $0x6900;
	s5 =	sshrl.u32 s1, $0x3  }
0x9: {  	s3 =	simm.s32 $0x0;
	s1 =	sshll.u32 s1, $0x7;
	s5 =	sadd.s32 s5, s4  }
0xa: {  	[smem:$0x7FF] =	sst s3;
	s1 =	sadd.s32 s1, s4;
	s20 =	sadd.s32 $0x600, s5  }
0xb: {  	_ =	strace $0x80000047;
	s21 =	sadd.s32 $0xA00, s1;
	[dreg:$0x3] =	wrdreg s20  }
0xc: {  	s12 =	simm.s32 $0x7100;
	s22 =	sadd.s32 $0x1A00, s1;
	[dreg:$0x4] =	wrdreg s21  }
0xd: {  	s13 =	simm.s32 $0x7900;
	s23 =	sadd.s32 $0x2A00, s1;
	[dreg:$0x5] =	wrdreg s22  }
0xe: {  	s0 =	ssub.s32 $0x2, s0;
	s25 =	sadd.s32 $0x3A00, s1;
	[dreg:$0x6] =	wrdreg s23  }
0xf: {  	s24 =	sshrl.u32 s0, $0x1;
	s26 =	sadd.s32 $0x4A00, s1;
	[dreg:$0x7] =	wrdreg s25  }
0x10: {  	s0 =	ssub.s32 s0, s24;
	s6 =	sadd.s32 $0x5A00, s1;
	[dreg:$0x8] =	wrdreg s26  }
0x11: {  	s24 =	simm.s32 $0x1900;
	s7 =	sadd.s32 $0x6A00, s1;
	[dreg:$0x9] =	wrdreg s6  }
0x12: {  	s4 =	sadd.s32 $0x100, s2;
	s1 =	sadd.s32 $0x7A00, s1;
	[dreg:$0xa] =	wrdreg s7  }
0x13: {  	v2 =	vlaneseq.u32;
	s5 =	sadd.s32 $0x200, s2;
	s6 =	sadd.s32 $0x300, s2;
	[dreg:$0xb] =	wrdreg s1  }
0x14: {  	vm0 =	vmmov $0xffff;
	v1 =	vshrl.u32 v2, $0x3;
	s7 =	smax.u32 s0, $0x1;
	s25 =	simm.s32 $0x8100;
	s20 =	simm.s32 $0x4  }
0x15: {  	v0 =	vand.u32 $0x7, v2;
	v2 =	vor.u32 $0x8, v2;
	v1 =	vmul.u32 $0x8, v1;
	s22 =	simm.s32 $0x900;
	s23 =	simm.s32 $0x1100;
	s26 =	simm.s32 $0x2100  }
.LBB2_1:
0x16: {  	s21 =	rddreg [dreg:$0x3];
	s14 =	simm.s32 $0x5  }
0x17: {  	[tilespmem:s3], [sflag:$0x5] =	stream.linear.gather [hbm4b:s21+s3], $0x100, $0x38;
	[tilespmem:$0x10100] =	vst v63  }
0x18: {  	_ =	swait.ge [sflag:s14], $0x100  }
0x19: {  	[sflag:s14] =	ssyncset.done $0x0  }
0x1a: {  	[sflag:s14] =	ssyncadd.s32 $0xFFFFFF00  }
0x1b: {  	v3 =	vld [tilespmem:$0x0];
	_ =	sdelay $0x4  }
0x1c: {  	v4 =	vshll.u32 v3, $0x3  }
0x1d: {  	v3 =	vand.u32 $0x7, v3;
	v4 =	vand.u32 $0xFFFFFFC0, v4  }
0x1e: {  	v3 =	vor.u32 v3, v4  }
0x1f: {  	v4 =	vperm.xlane v3, v0;
	_ =	sdelay $0x1  }
0x20: {  	v4 =	vadd.s32 v1, v4;
	_ =	sdelay $0x4  }
0x21: {  	[tilespmem:s9], [sflag:$0x1] =	stream.indirect_vreg.gather [hbm4b:s2+s3], $0x80, v4, vm0, $0xb8;
	[tilespmem:$0x10100] =	vst v63  }
0x22: {  	v3 =	vperm.xlane v3, v2  }
0x23: {  	[tilespmem:s22], [sflag:$0x1] =	stream.indirect_vreg.gather [hbm4b:s4+s3], $0x80, v4, vm0, $0xb8;
	[tilespmem:$0x10100] =	vst v63  }
0x24: {  	v3 =	vadd.s32 v1, v3  }
0x25: {  	[tilespmem:s23], [sflag:$0x1] =	stream.indirect_vreg.gather [hbm4b:s5+s3], $0x80, v4, vm0, $0xb8;
	[tilespmem:$0x10100] =	vst v63  }
0x26: {  	_ = 	snop  }
0x27: {  	[tilespmem:s24], [sflag:$0x1] =	stream.indirect_vreg.gather [hbm4b:s6+s3], $0x80, v4, vm0, $0xb8;
	[tilespmem:$0x10100] =	vst v63  }
0x28: {  	_ = 	snop  }
0x29: {  	[tilespmem:s26], [sflag:$0x1] =	stream.indirect_vreg.gather [hbm4b:s2+s3], $0x80, v3, vm0, $0xb8;
	[tilespmem:$0x10100] =	vst v63  }
0x2a: {  	_ = 	snop  }
0x2b: {  	[tilespmem:s28], [sflag:$0x1] =	stream.indirect_vreg.gather [hbm4b:s4+s3], $0x80, v3, vm0, $0xb8;
	[tilespmem:$0x10100] =	vst v63  }
0x2c: {  	_ = 	snop  }
0x2d: {  	[tilespmem:s29], [sflag:$0x1] =	stream.indirect_vreg.gather [hbm4b:s5+s3], $0x80, v3, vm0, $0xb8;
	[tilespmem:$0x10100] =	vst v63  }
0x2e: {  	_ = 	snop  }
0x2f: {  	[tilespmem:s30], [sflag:$0x1] =	stream.indirect_vreg.gather [hbm4b:s6+s3], $0x80, v3, vm0, $0xb8;
	[tilespmem:$0x10100] =	vst v63  }
0x30: {  	v3 =	vld [tilespmem:$0x10];
	_ =	sdelay $0x4  }
0x31: {  	v49 =	vshll.u32 v3, $0x3  }
0x32: {  	v3 =	vand.u32 $0x7, v3;
	v4 =	vand.u32 $0xFFFFFFC0, v49  }
0x33: {  	v3 =	vor.u32 v3, v4  }
0x34: {  	v4 =	vperm.xlane v3, v0;
	_ =	sdelay $0x1  }
0x35: {  	v4 =	vadd.s32 v1, v4;
	_ =	sdelay $0x4  }
0x36: {  	[tilespmem:s31], [sflag:$0x1] =	stream.indirect_vreg.gather [hbm4b:s2+s3], $0x80, v4, vm0, $0xb8;
	[tilespmem:$0x10100] =	vst v63  }
0x37: {  	s1 =	simm.s32 $0x4900;
	v3 =	vperm.xlane v3, v2  }
0x38: {  	[tilespmem:s1], [sflag:$0x1] =	stream.indirect_vreg.gather [hbm4b:s4+s3], $0x80, v4, vm0, $0xb8;
	[tilespmem:$0x10100] =	vst v63  }
0x39: {  	v3 =	vadd.s32 v1, v3  }
0x3a: {  	[tilespmem:s15], [sflag:$0x1] =	stream.indirect_vreg.gather [hbm4b:s5+s3], $0x80, v4, vm0, $0xb8;
	[tilespmem:$0x10100] =	vst v63  }
0x3b: {  	_ = 	snop  }
0x3c: {  	[tilespmem:s8], [sflag:$0x1] =	stream.indirect_vreg.gather [hbm4b:s6+s3], $0x80, v4, vm0, $0xb8;
	[tilespmem:$0x10100] =	vst v63  }
0x3d: {  	_ = 	snop  }
0x3e: {  	[tilespmem:s10], [sflag:$0x1] =	stream.indirect_vreg.gather [hbm4b:s2+s3], $0x80, v3, vm0, $0xb8;
	[tilespmem:$0x10100] =	vst v63  }
0x3f: {  	_ = 	snop  }
0x40: {  	[tilespmem:s11], [sflag:$0x1] =	stream.indirect_vreg.gather [hbm4b:s4+s3], $0x80, v3, vm0, $0xb8;
	[tilespmem:$0x10100] =	vst v63  }
0x41: {  	_ = 	snop  }
0x42: {  	[tilespmem:s12], [sflag:$0x1] =	stream.indirect_vreg.gather [hbm4b:s5+s3], $0x80, v3, vm0, $0xb8;
	[tilespmem:$0x10100] =	vst v63  }
0x43: {  	_ = 	snop  }
0x44: {  	[tilespmem:s13], [sflag:$0x1] =	stream.indirect_vreg.gather [hbm4b:s6+s3], $0x80, v3, vm0, $0xb8;
	[tilespmem:$0x10100] =	vst v63  }
0x45: {  	v3 =	vld [tilespmem:$0x20];
	_ =	sdelay $0x4  }
0x46: {  	v50 =	vshll.u32 v3, $0x3  }
0x47: {  	v3 =	vand.u32 $0x7, v3;
	v4 =	vand.u32 $0xFFFFFFC0, v50  }
0x48: {  	v3 =	vor.u32 v3, v4  }
0x49: {  	v4 =	vperm.xlane v3, v0;
	_ =	sdelay $0x1  }
0x4a: {  	v4 =	vadd.s32 v1, v4;
	_ =	sdelay $0x4  }
0x4b: {  	[tilespmem:s25], [sflag:$0x2] =	stream.indirect_vreg.gather [hbm4b:s2+s3], $0x80, v4, vm0, $0xb8;
	[tilespmem:$0x10100] =	vst v63  }
0x4c: {  	s14 =	simm.s32 $0x8900;
	v3 =	vperm.xlane v3, v2  }
0x4d: {  	[tilespmem:s14], [sflag:$0x2] =	stream.indirect_vreg.gather [hbm4b:s4+s3], $0x80, v4, vm0, $0xb8;
	[tilespmem:$0x10100] =	vst v63  }
0x4e: {  	s16 =	simm.s32 $0x9100;
	v3 =	vadd.s32 v1, v3  }
0x4f: {  	[tilespmem:s16], [sflag:$0x2] =	stream.indirect_vreg.gather [hbm4b:s5+s3], $0x80, v4, vm0, $0xb8;
	[tilespmem:$0x10100] =	vst v63  }
0x50: {  	s21 =	simm.s32 $0x9900  }
0x51: {  	[tilespmem:s21], [sflag:$0x2] =	stream.indirect_vreg.gather [hbm4b:s6+s3], $0x80, v4, vm0, $0xb8;
	[tilespmem:$0x10100] =	vst v63  }
0x52: {  	s16 =	simm.s32 $0xA100  }
0x53: {  	[tilespmem:s16], [sflag:$0x2] =	stream.indirect_vreg.gather [hbm4b:s2+s3], $0x80, v3, vm0, $0xb8;
	[tilespmem:$0x10100] =	vst v63  }
0x54: {  	s14 =	simm.s32 $0xA900  }
0x55: {  	[tilespmem:s14], [sflag:$0x2] =	stream.indirect_vreg.gather [hbm4b:s4+s3], $0x80, v3, vm0, $0xb8;
	[tilespmem:$0x10100] =	vst v63  }
0x56: {  	s16 =	simm.s32 $0xB100  }
0x57: {  	[tilespmem:s16], [sflag:$0x2] =	stream.indirect_vreg.gather [hbm4b:s5+s3], $0x80, v3, vm0, $0xb8;
	[tilespmem:$0x10100] =	vst v63  }
0x58: {  	s14 =	simm.s32 $0xB900  }
0x59: {  	[tilespmem:s14], [sflag:$0x2] =	stream.indirect_vreg.gather [hbm4b:s6+s3], $0x80, v3, vm0, $0xb8;
	[tilespmem:$0x10100] =	vst v63  }
0x5a: {  	v3 =	vld [tilespmem:$0x30];
	_ =	sdelay $0x4  }
0x5b: {  	v51 =	vshll.u32 v3, $0x3  }
0x5c: {  	v3 =	vand.u32 $0x7, v3;
	v4 =	vand.u32 $0xFFFFFFC0, v51  }
0x5d: {  	v3 =	vor.u32 v3, v4  }
0x5e: {  	v4 =	vperm.xlane v3, v0;
	_ =	sdelay $0x1  }
0x5f: {  	v4 =	vadd.s32 v1, v4;
	_ =	sdelay $0x3  }
0x60: {  	s16 =	simm.s32 $0xC100  }
0x61: {  	[tilespmem:s16], [sflag:$0x2] =	stream.indirect_vreg.gather [hbm4b:s2+s3], $0x80, v4, vm0, $0xb8;
	[tilespmem:$0x10100] =	vst v63  }
0x62: {  	s21 =	simm.s32 $0xC900;
	v3 =	vperm.xlane v3, v2  }
0x63: {  	[tilespmem:s21], [sflag:$0x2] =	stream.indirect_vreg.gather [hbm4b:s4+s3], $0x80, v4, vm0, $0xb8;
	[tilespmem:$0x10100] =	vst v63  }
0x64: {  	v3 =	vadd.s32 v1, v3;
	s21 =	simm.s32 $0xD100  }
0x65: {  	[tilespmem:s21], [sflag:$0x2] =	stream.indirect_vreg.gather [hbm4b:s5+s3], $0x80, v4, vm0, $0xb8;
	[tilespmem:$0x10100] =	vst v63  }
0x66: {  	s21 =	simm.s32 $0xD900  }
0x67: {  	[tilespmem:s21], [sflag:$0x2] =	stream.indirect_vreg.gather [hbm4b:s6+s3], $0x80, v4, vm0, $0xb8;
	[tilespmem:$0x10100] =	vst v63  }
0x68: {  	s21 =	simm.s32 $0xE100  }
0x69: {  	[tilespmem:s21], [sflag:$0x2] =	stream.indirect_vreg.gather [hbm4b:s2+s3], $0x80, v3, vm0, $0xb8;
	[tilespmem:$0x10100] =	vst v63  }
0x6a: {  	s21 =	simm.s32 $0xE900  }
0x6b: {  	[tilespmem:s21], [sflag:$0x2] =	stream.indirect_vreg.gather [hbm4b:s4+s3], $0x80, v3, vm0, $0xb8;
	[tilespmem:$0x10100] =	vst v63  }
0x6c: {  	s21 =	simm.s32 $0xF100  }
0x6d: {  	[tilespmem:s21], [sflag:$0x2] =	stream.indirect_vreg.gather [hbm4b:s5+s3], $0x80, v3, vm0, $0xb8;
	[tilespmem:$0x10100] =	vst v63  }
0x6e: {  	s21 =	simm.s32 $0xF900  }
0x6f: {  	[tilespmem:s21], [sflag:$0x2] =	stream.indirect_vreg.gather [hbm4b:s6+s3], $0x80, v3, vm0, $0xb8;
	[tilespmem:$0x10100] =	vst v63  }
0x70: {  	_ =	swait.ge [sflag:s17], $0x8000  }
0x71: {  	[sflag:s17] =	ssyncset.done $0x0  }
0x72: {  	s21 =	rddreg [dreg:$0x4];
	[sflag:s17] =	ssyncadd.s32 $0xFFFF8000  }
0x73: {  	[hbm4b:s21+s3] =	stream.linear.scatter [tilespmem:s9], [sflag:$0x3], $0x8000, $0x38;
	[tilespmem:$0x10100] =	vst v63  }
0x74: {  	_ =	swait.ge [sflag:s18], $0x8000  }
0x75: {  	[sflag:s18] =	ssyncset.done $0x0  }
0x76: {  	[sflag:s18] =	ssyncadd.s32 $0xFFFF8000  }
0x77: {  	v3 =	vld [tilespmem:$0x40];
	_ =	sdelay $0x4  }
0x78: {  	v52 =	vshll.u32 v3, $0x3  }
0x79: {  	v3 =	vand.u32 $0x7, v3;
	v4 =	vand.u32 $0xFFFFFFC0, v52  }
0x7a: {  	v3 =	vor.u32 v3, v4  }
0x7b: {  	v4 =	vperm.xlane v3, v0;
	_ =	sdelay $0x1  }
0x7c: {  	v4 =	vadd.s32 v1, v4;
	_ =	sdelay $0x4  }
0x7d: {  	[tilespmem:s9], [sflag:$0x1] =	stream.indirect_vreg.gather [hbm4b:s2+s3], $0x80, v4, vm0, $0xb8;
	[tilespmem:$0x10100] =	vst v63  }
0x7e: {  	v3 =	vperm.xlane v3, v2  }
0x7f: {  	[tilespmem:s22], [sflag:$0x1] =	stream.indirect_vreg.gather [hbm4b:s4+s3], $0x80, v4, vm0, $0xb8;
	[tilespmem:$0x10100] =	vst v63  }
0x80: {  	v3 =	vadd.s32 v1, v3  }
0x81: {  	[tilespmem:s23], [sflag:$0x1] =	stream.indirect_vreg.gather [hbm4b:s5+s3], $0x80, v4, vm0, $0xb8;
	[tilespmem:$0x10100] =	vst v63  }
0x82: {  	_ = 	snop  }
0x83: {  	[tilespmem:s24], [sflag:$0x1] =	stream.indirect_vreg.gather [hbm4b:s6+s3], $0x80, v4, vm0, $0xb8;
	[tilespmem:$0x10100] =	vst v63  }
0x84: {  	_ = 	snop  }
0x85: {  	[tilespmem:s26], [sflag:$0x1] =	stream.indirect_vreg.gather [hbm4b:s2+s3], $0x80, v3, vm0, $0xb8;
	[tilespmem:$0x10100] =	vst v63  }
0x86: {  	_ = 	snop  }
0x87: {  	[tilespmem:s28], [sflag:$0x1] =	stream.indirect_vreg.gather [hbm4b:s4+s3], $0x80, v3, vm0, $0xb8;
	[tilespmem:$0x10100] =	vst v63  }
0x88: {  	_ = 	snop  }
0x89: {  	[tilespmem:s29], [sflag:$0x1] =	stream.indirect_vreg.gather [hbm4b:s5+s3], $0x80, v3, vm0, $0xb8;
	[tilespmem:$0x10100] =	vst v63  }
0x8a: {  	_ = 	snop  }
0x8b: {  	[tilespmem:s30], [sflag:$0x1] =	stream.indirect_vreg.gather [hbm4b:s6+s3], $0x80, v3, vm0, $0xb8;
	[tilespmem:$0x10100] =	vst v63  }
0x8c: {  	v3 =	vld [tilespmem:$0x50];
	_ =	sdelay $0x4  }
0x8d: {  	v53 =	vshll.u32 v3, $0x3  }
0x8e: {  	v3 =	vand.u32 $0x7, v3;
	v4 =	vand.u32 $0xFFFFFFC0, v53  }
0x8f: {  	v3 =	vor.u32 v3, v4  }
0x90: {  	v4 =	vperm.xlane v3, v0;
	_ =	sdelay $0x1  }
0x91: {  	v4 =	vadd.s32 v1, v4;
	_ =	sdelay $0x4  }
0x92: {  	[tilespmem:s31], [sflag:$0x1] =	stream.indirect_vreg.gather [hbm4b:s2+s3], $0x80, v4, vm0, $0xb8;
	[tilespmem:$0x10100] =	vst v63  }
0x93: {  	v3 =	vperm.xlane v3, v2  }
0x94: {  	[tilespmem:s1], [sflag:$0x1] =	stream.indirect_vreg.gather [hbm4b:s4+s3], $0x80, v4, vm0, $0xb8;
	[tilespmem:$0x10100] =	vst v63  }
0x95: {  	v3 =	vadd.s32 v1, v3  }
0x96: {  	[tilespmem:s15], [sflag:$0x1] =	stream.indirect_vreg.gather [hbm4b:s5+s3], $0x80, v4, vm0, $0xb8;
	[tilespmem:$0x10100] =	vst v63  }
0x97: {  	_ = 	snop  }
0x98: {  	[tilespmem:s8], [sflag:$0x1] =	stream.indirect_vreg.gather [hbm4b:s6+s3], $0x80, v4, vm0, $0xb8;
	[tilespmem:$0x10100] =	vst v63  }
0x99: {  	_ = 	snop  }
0x9a: {  	[tilespmem:s10], [sflag:$0x1] =	stream.indirect_vreg.gather [hbm4b:s2+s3], $0x80, v3, vm0, $0xb8;
	[tilespmem:$0x10100] =	vst v63  }
0x9b: {  	_ = 	snop  }
0x9c: {  	[tilespmem:s11], [sflag:$0x1] =	stream.indirect_vreg.gather [hbm4b:s4+s3], $0x80, v3, vm0, $0xb8;
	[tilespmem:$0x10100] =	vst v63  }
0x9d: {  	_ = 	snop  }
0x9e: {  	[tilespmem:s12], [sflag:$0x1] =	stream.indirect_vreg.gather [hbm4b:s5+s3], $0x80, v3, vm0, $0xb8;
	[tilespmem:$0x10100] =	vst v63  }
0x9f: {  	_ = 	snop  }
0xa0: {  	[tilespmem:s13], [sflag:$0x1] =	stream.indirect_vreg.gather [hbm4b:s6+s3], $0x80, v3, vm0, $0xb8;
	[tilespmem:$0x10100] =	vst v63  }
0xa1: {  	_ =	swait.ge [sflag:s19], $0x8000  }
0xa2: {  	[sflag:s19] =	ssyncset.done $0x0  }
0xa3: {  	s21 =	rddreg [dreg:$0x5];
	[sflag:s19] =	ssyncadd.s32 $0xFFFF8000  }
0xa4: {  	[hbm4b:s21+s3] =	stream.linear.scatter [tilespmem:s25], [sflag:$0x4], $0x8000, $0x38;
	[tilespmem:$0x10100] =	vst v63  }
0xa5: {  	_ =	swait.ge [sflag:s20], $0x8000  }
0xa6: {  	[sflag:s20] =	ssyncset.done $0x0  }
0xa7: {  	[sflag:s20] =	ssyncadd.s32 $0xFFFF8000  }
0xa8: {  	v3 =	vld [tilespmem:$0x60];
	_ =	sdelay $0x4  }
0xa9: {  	v54 =	vshll.u32 v3, $0x3  }
0xaa: {  	v3 =	vand.u32 $0x7, v3;
	v4 =	vand.u32 $0xFFFFFFC0, v54  }
0xab: {  	v3 =	vor.u32 v3, v4  }
0xac: {  	v4 =	vperm.xlane v3, v0;
	_ =	sdelay $0x1  }
0xad: {  	v4 =	vadd.s32 v1, v4;
	_ =	sdelay $0x4  }
0xae: {  	[tilespmem:s25], [sflag:$0x2] =	stream.indirect_vreg.gather [hbm4b:s2+s3], $0x80, v4, vm0, $0xb8;
	[tilespmem:$0x10100] =	vst v63  }
0xaf: {  	s0 =	simm.s32 $0x8900;
	v3 =	vperm.xlane v3, v2  }
0xb0: {  	[tilespmem:s0], [sflag:$0x2] =	stream.indirect_vreg.gather [hbm4b:s4+s3], $0x80, v4, vm0, $0xb8;
	[tilespmem:$0x10100] =	vst v63  }
0xb1: {  	v3 =	vadd.s32 v1, v3;
	s0 =	simm.s32 $0x9100  }
0xb2: {  	[tilespmem:s0], [sflag:$0x2] =	stream.indirect_vreg.gather [hbm4b:s5+s3], $0x80, v4, vm0, $0xb8;
	[tilespmem:$0x10100] =	vst v63  }
0xb3: {  	s21 =	simm.s32 $0x9900  }
0xb4: {  	[tilespmem:s21], [sflag:$0x2] =	stream.indirect_vreg.gather [hbm4b:s6+s3], $0x80, v4, vm0, $0xb8;
	[tilespmem:$0x10100] =	vst v63  }
0xb5: {  	s21 =	simm.s32 $0xA100  }
0xb6: {  	[tilespmem:s21], [sflag:$0x2] =	stream.indirect_vreg.gather [hbm4b:s2+s3], $0x80, v3, vm0, $0xb8;
	[tilespmem:$0x10100] =	vst v63  }
0xb7: {  	s21 =	simm.s32 $0xA900  }
0xb8: {  	[tilespmem:s21], [sflag:$0x2] =	stream.indirect_vreg.gather [hbm4b:s4+s3], $0x80, v3, vm0, $0xb8;
	[tilespmem:$0x10100] =	vst v63  }
0xb9: {  	s21 =	simm.s32 $0xB100  }
0xba: {  	[tilespmem:s21], [sflag:$0x2] =	stream.indirect_vreg.gather [hbm4b:s5+s3], $0x80, v3, vm0, $0xb8;
	[tilespmem:$0x10100] =	vst v63  }
0xbb: {  	s14 =	simm.s32 $0xB900  }
0xbc: {  	[tilespmem:s14], [sflag:$0x2] =	stream.indirect_vreg.gather [hbm4b:s6+s3], $0x80, v3, vm0, $0xb8;
	[tilespmem:$0x10100] =	vst v63  }
0xbd: {  	v3 =	vld [tilespmem:$0x70];
	_ =	sdelay $0x4  }
0xbe: {  	v55 =	vshll.u32 v3, $0x3  }
0xbf: {  	v3 =	vand.u32 $0x7, v3;
	v4 =	vand.u32 $0xFFFFFFC0, v55  }
0xc0: {  	v3 =	vor.u32 v3, v4  }
0xc1: {  	v4 =	vperm.xlane v3, v0;
	_ =	sdelay $0x1  }
0xc2: {  	v4 =	vadd.s32 v1, v4;
	_ =	sdelay $0x3  }
0xc3: {  	s16 =	simm.s32 $0xC100  }
0xc4: {  	[tilespmem:s16], [sflag:$0x2] =	stream.indirect_vreg.gather [hbm4b:s2+s3], $0x80, v4, vm0, $0xb8;
	[tilespmem:$0x10100] =	vst v63  }
0xc5: {  	s21 =	simm.s32 $0xC900;
	v3 =	vperm.xlane v3, v2  }
0xc6: {  	[tilespmem:s21], [sflag:$0x2] =	stream.indirect_vreg.gather [hbm4b:s4+s3], $0x80, v4, vm0, $0xb8;
	[tilespmem:$0x10100] =	vst v63  }
0xc7: {  	v3 =	vadd.s32 v1, v3;
	s16 =	simm.s32 $0xD100  }
0xc8: {  	[tilespmem:s16], [sflag:$0x2] =	stream.indirect_vreg.gather [hbm4b:s5+s3], $0x80, v4, vm0, $0xb8;
	[tilespmem:$0x10100] =	vst v63  }
0xc9: {  	s21 =	simm.s32 $0xD900  }
0xca: {  	[tilespmem:s21], [sflag:$0x2] =	stream.indirect_vreg.gather [hbm4b:s6+s3], $0x80, v4, vm0, $0xb8;
	[tilespmem:$0x10100] =	vst v63  }
0xcb: {  	s16 =	simm.s32 $0xE100  }
0xcc: {  	[tilespmem:s16], [sflag:$0x2] =	stream.indirect_vreg.gather [hbm4b:s2+s3], $0x80, v3, vm0, $0xb8;
	[tilespmem:$0x10100] =	vst v63  }
0xcd: {  	s21 =	simm.s32 $0xE900  }
0xce: {  	[tilespmem:s21], [sflag:$0x2] =	stream.indirect_vreg.gather [hbm4b:s4+s3], $0x80, v3, vm0, $0xb8;
	[tilespmem:$0x10100] =	vst v63  }
0xcf: {  	s16 =	simm.s32 $0xF100  }
0xd0: {  	[tilespmem:s16], [sflag:$0x2] =	stream.indirect_vreg.gather [hbm4b:s5+s3], $0x80, v3, vm0, $0xb8;
	[tilespmem:$0x10100] =	vst v63  }
0xd1: {  	s21 =	simm.s32 $0xF900  }
0xd2: {  	[tilespmem:s21], [sflag:$0x2] =	stream.indirect_vreg.gather [hbm4b:s6+s3], $0x80, v3, vm0, $0xb8;
	[tilespmem:$0x10100] =	vst v63  }
0xd3: {  	_ =	swait.ge [sflag:s17], $0x8000  }
0xd4: {  	[sflag:s17] =	ssyncset.done $0x0  }
0xd5: {  	s16 =	rddreg [dreg:$0x6];
	[sflag:s17] =	ssyncadd.s32 $0xFFFF8000  }
0xd6: {  	[hbm4b:s16+s3] =	stream.linear.scatter [tilespmem:s9], [sflag:$0x3], $0x8000, $0x38;
	[tilespmem:$0x10100] =	vst v63  }
0xd7: {  	_ =	swait.ge [sflag:s18], $0x8000  }
0xd8: {  	[sflag:s18] =	ssyncset.done $0x0  }
0xd9: {  	[sflag:s18] =	ssyncadd.s32 $0xFFFF8000  }
0xda: {  	v3 =	vld [tilespmem:$0x80];
	_ =	sdelay $0x4  }
0xdb: {  	v56 =	vshll.u32 v3, $0x3  }
0xdc: {  	v3 =	vand.u32 $0x7, v3;
	v4 =	vand.u32 $0xFFFFFFC0, v56  }
0xdd: {  	v3 =	vor.u32 v3, v4  }
0xde: {  	v4 =	vperm.xlane v3, v0;
	_ =	sdelay $0x1  }
0xdf: {  	v4 =	vadd.s32 v1, v4;
	_ =	sdelay $0x4  }
0xe0: {  	[tilespmem:s9], [sflag:$0x1] =	stream.indirect_vreg.gather [hbm4b:s2+s3], $0x80, v4, vm0, $0xb8;
	[tilespmem:$0x10100] =	vst v63  }
0xe1: {  	v3 =	vperm.xlane v3, v2  }
0xe2: {  	[tilespmem:s22], [sflag:$0x1] =	stream.indirect_vreg.gather [hbm4b:s4+s3], $0x80, v4, vm0, $0xb8;
	[tilespmem:$0x10100] =	vst v63  }
0xe3: {  	v3 =	vadd.s32 v1, v3  }
0xe4: {  	[tilespmem:s23], [sflag:$0x1] =	stream.indirect_vreg.gather [hbm4b:s5+s3], $0x80, v4, vm0, $0xb8;
	[tilespmem:$0x10100] =	vst v63  }
0xe5: {  	_ = 	snop  }
0xe6: {  	[tilespmem:s24], [sflag:$0x1] =	stream.indirect_vreg.gather [hbm4b:s6+s3], $0x80, v4, vm0, $0xb8;
	[tilespmem:$0x10100] =	vst v63  }
0xe7: {  	_ = 	snop  }
0xe8: {  	[tilespmem:s26], [sflag:$0x1] =	stream.indirect_vreg.gather [hbm4b:s2+s3], $0x80, v3, vm0, $0xb8;
	[tilespmem:$0x10100] =	vst v63  }
0xe9: {  	_ = 	snop  }
0xea: {  	[tilespmem:s28], [sflag:$0x1] =	stream.indirect_vreg.gather [hbm4b:s4+s3], $0x80, v3, vm0, $0xb8;
	[tilespmem:$0x10100] =	vst v63  }
0xeb: {  	_ = 	snop  }
0xec: {  	[tilespmem:s29], [sflag:$0x1] =	stream.indirect_vreg.gather [hbm4b:s5+s3], $0x80, v3, vm0, $0xb8;
	[tilespmem:$0x10100] =	vst v63  }
0xed: {  	_ = 	snop  }
0xee: {  	[tilespmem:s30], [sflag:$0x1] =	stream.indirect_vreg.gather [hbm4b:s6+s3], $0x80, v3, vm0, $0xb8;
	[tilespmem:$0x10100] =	vst v63  }
0xef: {  	v3 =	vld [tilespmem:$0x90];
	_ =	sdelay $0x4  }
0xf0: {  	v57 =	vshll.u32 v3, $0x3  }
0xf1: {  	v3 =	vand.u32 $0x7, v3;
	v4 =	vand.u32 $0xFFFFFFC0, v57  }
0xf2: {  	v3 =	vor.u32 v3, v4  }
0xf3: {  	v4 =	vperm.xlane v3, v0;
	_ =	sdelay $0x1  }
0xf4: {  	v4 =	vadd.s32 v1, v4;
	_ =	sdelay $0x4  }
0xf5: {  	[tilespmem:s31], [sflag:$0x1] =	stream.indirect_vreg.gather [hbm4b:s2+s3], $0x80, v4, vm0, $0xb8;
	[tilespmem:$0x10100] =	vst v63  }
0xf6: {  	v3 =	vperm.xlane v3, v2  }
0xf7: {  	[tilespmem:s1], [sflag:$0x1] =	stream.indirect_vreg.gather [hbm4b:s4+s3], $0x80, v4, vm0, $0xb8;
	[tilespmem:$0x10100] =	vst v63  }
0xf8: {  	v3 =	vadd.s32 v1, v3  }
0xf9: {  	[tilespmem:s15], [sflag:$0x1] =	stream.indirect_vreg.gather [hbm4b:s5+s3], $0x80, v4, vm0, $0xb8;
	[tilespmem:$0x10100] =	vst v63  }
0xfa: {  	_ = 	snop  }
0xfb: {  	[tilespmem:s8], [sflag:$0x1] =	stream.indirect_vreg.gather [hbm4b:s6+s3], $0x80, v4, vm0, $0xb8;
	[tilespmem:$0x10100] =	vst v63  }
0xfc: {  	_ = 	snop  }
0xfd: {  	[tilespmem:s10], [sflag:$0x1] =	stream.indirect_vreg.gather [hbm4b:s2+s3], $0x80, v3, vm0, $0xb8;
	[tilespmem:$0x10100] =	vst v63  }
0xfe: {  	_ = 	snop  }
0xff: {  	[tilespmem:s11], [sflag:$0x1] =	stream.indirect_vreg.gather [hbm4b:s4+s3], $0x80, v3, vm0, $0xb8;
	[tilespmem:$0x10100] =	vst v63  }
0x100: {  	_ = 	snop  }
0x101: {  	[tilespmem:s12], [sflag:$0x1] =	stream.indirect_vreg.gather [hbm4b:s5+s3], $0x80, v3, vm0, $0xb8;
	[tilespmem:$0x10100] =	vst v63  }
0x102: {  	_ = 	snop  }
0x103: {  	[tilespmem:s13], [sflag:$0x1] =	stream.indirect_vreg.gather [hbm4b:s6+s3], $0x80, v3, vm0, $0xb8;
	[tilespmem:$0x10100] =	vst v63  }
0x104: {  	_ =	swait.ge [sflag:s19], $0x8000  }
0x105: {  	[sflag:s19] =	ssyncset.done $0x0  }
0x106: {  	s14 =	rddreg [dreg:$0x7];
	[sflag:s19] =	ssyncadd.s32 $0xFFFF8000  }
0x107: {  	[hbm4b:s14+s3] =	stream.linear.scatter [tilespmem:s25], [sflag:$0x4], $0x8000, $0x38;
	[tilespmem:$0x10100] =	vst v63  }
0x108: {  	_ =	swait.ge [sflag:s20], $0x8000  }
0x109: {  	[sflag:s20] =	ssyncset.done $0x0  }
0x10a: {  	[sflag:s20] =	ssyncadd.s32 $0xFFFF8000  }
0x10b: {  	v3 =	vld [tilespmem:$0xA0];
	_ =	sdelay $0x4  }
0x10c: {  	v58 =	vshll.u32 v3, $0x3  }
0x10d: {  	v3 =	vand.u32 $0x7, v3;
	v4 =	vand.u32 $0xFFFFFFC0, v58  }
0x10e: {  	v3 =	vor.u32 v3, v4  }
0x10f: {  	v4 =	vperm.xlane v3, v0;
	_ =	sdelay $0x1  }
0x110: {  	v4 =	vadd.s32 v1, v4;
	_ =	sdelay $0x4  }
0x111: {  	[tilespmem:s25], [sflag:$0x2] =	stream.indirect_vreg.gather [hbm4b:s2+s3], $0x80, v4, vm0, $0xb8;
	[tilespmem:$0x10100] =	vst v63  }
0x112: {  	s16 =	simm.s32 $0x8900;
	v3 =	vperm.xlane v3, v2  }
0x113: {  	[tilespmem:s16], [sflag:$0x2] =	stream.indirect_vreg.gather [hbm4b:s4+s3], $0x80, v4, vm0, $0xb8;
	[tilespmem:$0x10100] =	vst v63  }
0x114: {  	v3 =	vadd.s32 v1, v3  }
0x115: {  	[tilespmem:s0], [sflag:$0x2] =	stream.indirect_vreg.gather [hbm4b:s5+s3], $0x80, v4, vm0, $0xb8;
	[tilespmem:$0x10100] =	vst v63  }
0x116: {  	s21 =	simm.s32 $0x9900  }
0x117: {  	[tilespmem:s21], [sflag:$0x2] =	stream.indirect_vreg.gather [hbm4b:s6+s3], $0x80, v4, vm0, $0xb8;
	[tilespmem:$0x10100] =	vst v63  }
0x118: {  	s16 =	simm.s32 $0xA100  }
0x119: {  	[tilespmem:s16], [sflag:$0x2] =	stream.indirect_vreg.gather [hbm4b:s2+s3], $0x80, v3, vm0, $0xb8;
	[tilespmem:$0x10100] =	vst v63  }
0x11a: {  	s21 =	simm.s32 $0xA900  }
0x11b: {  	[tilespmem:s21], [sflag:$0x2] =	stream.indirect_vreg.gather [hbm4b:s4+s3], $0x80, v3, vm0, $0xb8;
	[tilespmem:$0x10100] =	vst v63  }
0x11c: {  	s21 =	simm.s32 $0xB100  }
0x11d: {  	[tilespmem:s21], [sflag:$0x2] =	stream.indirect_vreg.gather [hbm4b:s5+s3], $0x80, v3, vm0, $0xb8;
	[tilespmem:$0x10100] =	vst v63  }
0x11e: {  	s21 =	simm.s32 $0xB900  }
0x11f: {  	[tilespmem:s21], [sflag:$0x2] =	stream.indirect_vreg.gather [hbm4b:s6+s3], $0x80, v3, vm0, $0xb8;
	[tilespmem:$0x10100] =	vst v63  }
0x120: {  	v3 =	vld [tilespmem:$0xB0];
	_ =	sdelay $0x4  }
0x121: {  	v59 =	vshll.u32 v3, $0x3  }
0x122: {  	v3 =	vand.u32 $0x7, v3;
	v4 =	vand.u32 $0xFFFFFFC0, v59  }
0x123: {  	v3 =	vor.u32 v3, v4  }
0x124: {  	v4 =	vperm.xlane v3, v0;
	_ =	sdelay $0x1  }
0x125: {  	v4 =	vadd.s32 v1, v4;
	_ =	sdelay $0x3  }
0x126: {  	s21 =	simm.s32 $0xC100  }
0x127: {  	[tilespmem:s21], [sflag:$0x2] =	stream.indirect_vreg.gather [hbm4b:s2+s3], $0x80, v4, vm0, $0xb8;
	[tilespmem:$0x10100] =	vst v63  }
0x128: {  	v3 =	vperm.xlane v3, v2;
	s21 =	simm.s32 $0xC900  }
0x129: {  	[tilespmem:s21], [sflag:$0x2] =	stream.indirect_vreg.gather [hbm4b:s4+s3], $0x80, v4, vm0, $0xb8;
	[tilespmem:$0x10100] =	vst v63  }
0x12a: {  	v3 =	vadd.s32 v1, v3;
	s21 =	simm.s32 $0xD100  }
0x12b: {  	[tilespmem:s21], [sflag:$0x2] =	stream.indirect_vreg.gather [hbm4b:s5+s3], $0x80, v4, vm0, $0xb8;
	[tilespmem:$0x10100] =	vst v63  }
0x12c: {  	s21 =	simm.s32 $0xD900  }
0x12d: {  	[tilespmem:s21], [sflag:$0x2] =	stream.indirect_vreg.gather [hbm4b:s6+s3], $0x80, v4, vm0, $0xb8;
	[tilespmem:$0x10100] =	vst v63  }
0x12e: {  	s21 =	simm.s32 $0xE100  }
0x12f: {  	[tilespmem:s21], [sflag:$0x2] =	stream.indirect_vreg.gather [hbm4b:s2+s3], $0x80, v3, vm0, $0xb8;
	[tilespmem:$0x10100] =	vst v63  }
0x130: {  	s21 =	simm.s32 $0xE900  }
0x131: {  	[tilespmem:s21], [sflag:$0x2] =	stream.indirect_vreg.gather [hbm4b:s4+s3], $0x80, v3, vm0, $0xb8;
	[tilespmem:$0x10100] =	vst v63  }
0x132: {  	s21 =	simm.s32 $0xF100  }
0x133: {  	[tilespmem:s21], [sflag:$0x2] =	stream.indirect_vreg.gather [hbm4b:s5+s3], $0x80, v3, vm0, $0xb8;
	[tilespmem:$0x10100] =	vst v63  }
0x134: {  	s21 =	simm.s32 $0xF900  }
0x135: {  	[tilespmem:s21], [sflag:$0x2] =	stream.indirect_vreg.gather [hbm4b:s6+s3], $0x80, v3, vm0, $0xb8;
	[tilespmem:$0x10100] =	vst v63  }
0x136: {  	_ =	swait.ge [sflag:s17], $0x8000  }
0x137: {  	[sflag:s17] =	ssyncset.done $0x0  }
0x138: {  	s21 =	rddreg [dreg:$0x8];
	[sflag:s17] =	ssyncadd.s32 $0xFFFF8000  }
0x139: {  	[hbm4b:s21+s3] =	stream.linear.scatter [tilespmem:s9], [sflag:$0x3], $0x8000, $0x38;
	[tilespmem:$0x10100] =	vst v63  }
0x13a: {  	_ =	swait.ge [sflag:s18], $0x8000  }
0x13b: {  	[sflag:s18] =	ssyncset.done $0x0  }
0x13c: {  	[sflag:s18] =	ssyncadd.s32 $0xFFFF8000  }
0x13d: {  	v3 =	vld [tilespmem:$0xC0];
	_ =	sdelay $0x4  }
0x13e: {  	v60 =	vshll.u32 v3, $0x3  }
0x13f: {  	v3 =	vand.u32 $0x7, v3;
	v4 =	vand.u32 $0xFFFFFFC0, v60  }
0x140: {  	v3 =	vor.u32 v3, v4  }
0x141: {  	v4 =	vperm.xlane v3, v0;
	_ =	sdelay $0x1  }
0x142: {  	v4 =	vadd.s32 v1, v4;
	_ =	sdelay $0x4  }
0x143: {  	[tilespmem:s9], [sflag:$0x1] =	stream.indirect_vreg.gather [hbm4b:s2+s3], $0x80, v4, vm0, $0xb8;
	[tilespmem:$0x10100] =	vst v63  }
0x144: {  	v3 =	vperm.xlane v3, v2  }
0x145: {  	[tilespmem:s22], [sflag:$0x1] =	stream.indirect_vreg.gather [hbm4b:s4+s3], $0x80, v4, vm0, $0xb8;
	[tilespmem:$0x10100] =	vst v63  }
0x146: {  	v3 =	vadd.s32 v1, v3  }
0x147: {  	[tilespmem:s23], [sflag:$0x1] =	stream.indirect_vreg.gather [hbm4b:s5+s3], $0x80, v4, vm0, $0xb8;
	[tilespmem:$0x10100] =	vst v63  }
0x148: {  	_ = 	snop  }
0x149: {  	[tilespmem:s24], [sflag:$0x1] =	stream.indirect_vreg.gather [hbm4b:s6+s3], $0x80, v4, vm0, $0xb8;
	[tilespmem:$0x10100] =	vst v63  }
0x14a: {  	_ = 	snop  }
0x14b: {  	[tilespmem:s26], [sflag:$0x1] =	stream.indirect_vreg.gather [hbm4b:s2+s3], $0x80, v3, vm0, $0xb8;
	[tilespmem:$0x10100] =	vst v63  }
0x14c: {  	_ = 	snop  }
0x14d: {  	[tilespmem:s28], [sflag:$0x1] =	stream.indirect_vreg.gather [hbm4b:s4+s3], $0x80, v3, vm0, $0xb8;
	[tilespmem:$0x10100] =	vst v63  }
0x14e: {  	_ = 	snop  }
0x14f: {  	[tilespmem:s29], [sflag:$0x1] =	stream.indirect_vreg.gather [hbm4b:s5+s3], $0x80, v3, vm0, $0xb8;
	[tilespmem:$0x10100] =	vst v63  }
0x150: {  	_ = 	snop  }
0x151: {  	[tilespmem:s30], [sflag:$0x1] =	stream.indirect_vreg.gather [hbm4b:s6+s3], $0x80, v3, vm0, $0xb8;
	[tilespmem:$0x10100] =	vst v63  }
0x152: {  	v3 =	vld [tilespmem:$0xD0];
	_ =	sdelay $0x4  }
0x153: {  	v61 =	vshll.u32 v3, $0x3  }
0x154: {  	v3 =	vand.u32 $0x7, v3;
	v4 =	vand.u32 $0xFFFFFFC0, v61  }
0x155: {  	v3 =	vor.u32 v3, v4  }
0x156: {  	v4 =	vperm.xlane v3, v0;
	_ =	sdelay $0x1  }
0x157: {  	v4 =	vadd.s32 v1, v4;
	_ =	sdelay $0x4  }
0x158: {  	[tilespmem:s31], [sflag:$0x1] =	stream.indirect_vreg.gather [hbm4b:s2+s3], $0x80, v4, vm0, $0xb8;
	[tilespmem:$0x10100] =	vst v63  }
0x159: {  	v3 =	vperm.xlane v3, v2  }
0x15a: {  	[tilespmem:s1], [sflag:$0x1] =	stream.indirect_vreg.gather [hbm4b:s4+s3], $0x80, v4, vm0, $0xb8;
	[tilespmem:$0x10100] =	vst v63  }
0x15b: {  	v3 =	vadd.s32 v1, v3  }
0x15c: {  	[tilespmem:s15], [sflag:$0x1] =	stream.indirect_vreg.gather [hbm4b:s5+s3], $0x80, v4, vm0, $0xb8;
	[tilespmem:$0x10100] =	vst v63  }
0x15d: {  	_ = 	snop  }
0x15e: {  	[tilespmem:s8], [sflag:$0x1] =	stream.indirect_vreg.gather [hbm4b:s6+s3], $0x80, v4, vm0, $0xb8;
	[tilespmem:$0x10100] =	vst v63  }
0x15f: {  	_ = 	snop  }
0x160: {  	[tilespmem:s10], [sflag:$0x1] =	stream.indirect_vreg.gather [hbm4b:s2+s3], $0x80, v3, vm0, $0xb8;
	[tilespmem:$0x10100] =	vst v63  }
0x161: {  	_ = 	snop  }
0x162: {  	[tilespmem:s11], [sflag:$0x1] =	stream.indirect_vreg.gather [hbm4b:s4+s3], $0x80, v3, vm0, $0xb8;
	[tilespmem:$0x10100] =	vst v63  }
0x163: {  	_ = 	snop  }
0x164: {  	[tilespmem:s12], [sflag:$0x1] =	stream.indirect_vreg.gather [hbm4b:s5+s3], $0x80, v3, vm0, $0xb8;
	[tilespmem:$0x10100] =	vst v63  }
0x165: {  	_ = 	snop  }
0x166: {  	[tilespmem:s13], [sflag:$0x1] =	stream.indirect_vreg.gather [hbm4b:s6+s3], $0x80, v3, vm0, $0xb8;
	[tilespmem:$0x10100] =	vst v63  }
0x167: {  	_ =	swait.ge [sflag:s19], $0x8000  }
0x168: {  	[sflag:s19] =	ssyncset.done $0x0  }
0x169: {  	s1 =	rddreg [dreg:$0x9];
	[sflag:s19] =	ssyncadd.s32 $0xFFFF8000  }
0x16a: {  	[hbm4b:s1+s3] =	stream.linear.scatter [tilespmem:s25], [sflag:$0x4], $0x8000, $0x38;
	[tilespmem:$0x10100] =	vst v63  }
0x16b: {  	_ =	swait.ge [sflag:s20], $0x8000  }
0x16c: {  	[sflag:s20] =	ssyncset.done $0x0  }
0x16d: {  	[sflag:s20] =	ssyncadd.s32 $0xFFFF8000  }
0x16e: {  	v3 =	vld [tilespmem:$0xE0];
	_ =	sdelay $0x4  }
0x16f: {  	v62 =	vshll.u32 v3, $0x3  }
0x170: {  	v3 =	vand.u32 $0x7, v3;
	v4 =	vand.u32 $0xFFFFFFC0, v62  }
0x171: {  	v3 =	vor.u32 v3, v4  }
0x172: {  	v4 =	vperm.xlane v3, v0;
	_ =	sdelay $0x1  }
0x173: {  	v4 =	vadd.s32 v1, v4;
	_ =	sdelay $0x4  }
0x174: {  	[tilespmem:s25], [sflag:$0x2] =	stream.indirect_vreg.gather [hbm4b:s2+s3], $0x80, v4, vm0, $0xb8;
	[tilespmem:$0x10100] =	vst v63  }
0x175: {  	s21 =	simm.s32 $0x8900;
	v3 =	vperm.xlane v3, v2  }
0x176: {  	[tilespmem:s21], [sflag:$0x2] =	stream.indirect_vreg.gather [hbm4b:s4+s3], $0x80, v4, vm0, $0xb8;
	[tilespmem:$0x10100] =	vst v63  }
0x177: {  	s0 =	simm.s32 $0x9100;
	v3 =	vadd.s32 v1, v3  }
0x178: {  	[tilespmem:s0], [sflag:$0x2] =	stream.indirect_vreg.gather [hbm4b:s5+s3], $0x80, v4, vm0, $0xb8;
	[tilespmem:$0x10100] =	vst v63  }
0x179: {  	s1 =	simm.s32 $0x9900  }
0x17a: {  	[tilespmem:s1], [sflag:$0x2] =	stream.indirect_vreg.gather [hbm4b:s6+s3], $0x80, v4, vm0, $0xb8;
	[tilespmem:$0x10100] =	vst v63  }
0x17b: {  	s14 =	simm.s32 $0xA100  }
0x17c: {  	[tilespmem:s14], [sflag:$0x2] =	stream.indirect_vreg.gather [hbm4b:s2+s3], $0x80, v3, vm0, $0xb8;
	[tilespmem:$0x10100] =	vst v63  }
0x17d: {  	s16 =	simm.s32 $0xA900  }
0x17e: {  	[tilespmem:s16], [sflag:$0x2] =	stream.indirect_vreg.gather [hbm4b:s4+s3], $0x80, v3, vm0, $0xb8;
	[tilespmem:$0x10100] =	vst v63  }
0x17f: {  	s21 =	simm.s32 $0xB100  }
0x180: {  	[tilespmem:s21], [sflag:$0x2] =	stream.indirect_vreg.gather [hbm4b:s5+s3], $0x80, v3, vm0, $0xb8;
	[tilespmem:$0x10100] =	vst v63  }
0x181: {  	s1 =	simm.s32 $0xB900  }
0x182: {  	[tilespmem:s1], [sflag:$0x2] =	stream.indirect_vreg.gather [hbm4b:s6+s3], $0x80, v3, vm0, $0xb8;
	[tilespmem:$0x10100] =	vst v63  }
0x183: {  	v3 =	vld [tilespmem:$0xF0];
	_ =	sdelay $0x4  }
0x184: {  	v63 =	vshll.u32 v3, $0x3  }
0x185: {  	v3 =	vand.u32 $0x7, v3;
	v4 =	vand.u32 $0xFFFFFFC0, v63  }
0x186: {  	v3 =	vor.u32 v3, v4  }
0x187: {  	v4 =	vperm.xlane v3, v0;
	_ =	sdelay $0x1  }
0x188: {  	v4 =	vadd.s32 v1, v4;
	_ =	sdelay $0x3  }
0x189: {  	s14 =	simm.s32 $0xC100  }
0x18a: {  	[tilespmem:s14], [sflag:$0x2] =	stream.indirect_vreg.gather [hbm4b:s2+s3], $0x80, v4, vm0, $0xb8;
	[tilespmem:$0x10100] =	vst v63  }
0x18b: {  	s16 =	simm.s32 $0xC900;
	v3 =	vperm.xlane v3, v2  }
0x18c: {  	[tilespmem:s16], [sflag:$0x2] =	stream.indirect_vreg.gather [hbm4b:s4+s3], $0x80, v4, vm0, $0xb8;
	[tilespmem:$0x10100] =	vst v63  }
0x18d: {  	s21 =	simm.s32 $0xD100;
	v3 =	vadd.s32 v1, v3  }
0x18e: {  	[tilespmem:s21], [sflag:$0x2] =	stream.indirect_vreg.gather [hbm4b:s5+s3], $0x80, v4, vm0, $0xb8;
	[tilespmem:$0x10100] =	vst v63  }
0x18f: {  	s1 =	simm.s32 $0xD900  }
0x190: {  	[tilespmem:s1], [sflag:$0x2] =	stream.indirect_vreg.gather [hbm4b:s6+s3], $0x80, v4, vm0, $0xb8;
	[tilespmem:$0x10100] =	vst v63  }
0x191: {  	s14 =	simm.s32 $0xE100  }
0x192: {  	[tilespmem:s14], [sflag:$0x2] =	stream.indirect_vreg.gather [hbm4b:s2+s3], $0x80, v3, vm0, $0xb8;
	[tilespmem:$0x10100] =	vst v63  }
0x193: {  	s16 =	simm.s32 $0xE900  }
0x194: {  	[tilespmem:s16], [sflag:$0x2] =	stream.indirect_vreg.gather [hbm4b:s4+s3], $0x80, v3, vm0, $0xb8;
	[tilespmem:$0x10100] =	vst v63  }
0x195: {  	s21 =	simm.s32 $0xF100  }
0x196: {  	[tilespmem:s21], [sflag:$0x2] =	stream.indirect_vreg.gather [hbm4b:s5+s3], $0x80, v3, vm0, $0xb8;
	[tilespmem:$0x10100] =	vst v63  }
0x197: {  	s1 =	simm.s32 $0xF900  }
0x198: {  	[tilespmem:s1], [sflag:$0x2] =	stream.indirect_vreg.gather [hbm4b:s6+s3], $0x80, v3, vm0, $0xb8;
	[tilespmem:$0x10100] =	vst v63  }
0x199: {  	_ =	swait.ge [sflag:s17], $0x8000  }
0x19a: {  	[sflag:s17] =	ssyncset.done $0x0  }
0x19b: {  	s14 =	rddreg [dreg:$0xa];
	[sflag:s17] =	ssyncadd.s32 $0xFFFF8000  }
0x19c: {  	[hbm4b:s14+s3] =	stream.linear.scatter [tilespmem:s9], [sflag:$0x3], $0x8000, $0x38;
	[tilespmem:$0x10100] =	vst v63  }
0x19d: {  	_ =	swait.ge [sflag:s19], $0x8000  }
0x19e: {  	[sflag:s19] =	ssyncset.done $0x0  }
0x19f: {  	s16 =	rddreg [dreg:$0xb];
	[sflag:s19] =	ssyncadd.s32 $0xFFFF8000  }
0x1a0: {  	[hbm4b:s16+s3] =	stream.linear.scatter [tilespmem:s25], [sflag:$0x4], $0x8000, $0x38;
	[tilespmem:$0x10100] =	vst v63  }
0x1a1: {  	p0 =	sne.s32 s7, $0x1;
	_ =	swait.ge [sflag:s18], $0x8000  }
.Ltmp0:
0x1a2: {  	[sflag:s18] =	ssyncset.done $0x0;
	(pc) =	sbr.rel @p0 .LBB2_1-.Ltmp0, $4  }
0x1a3: {  	[sflag:s18] =	ssyncadd.s32 $0xFFFF8000  }
0x1a4: {  	_ =	swait.ge [sflag:s20], $0x8000  }
0x1a5: {  	[sflag:s20] =	ssyncset.done $0x0  }
0x1a6: {  	s7 =	sadd.s32 $0xFFFFFFFF, s7;
	[sflag:s20] =	ssyncadd.s32 $0xFFFF8000  }
0x1a7: {  	_ =	sfence.sel $0x180000  }
0x1a8: {  	[bflag:$0x0] =	sbarrier.arrive $0xFFFF  }
0x1a9: {  	_ =	strace $0x90000047  }
0x1aa: {  	s0 =	stileid.u32;
	[bflag:$0x2] =	sbarrier.arrive $0xFFFF  }
0x1ab: {  	p0 =	sne.s32 s0, $0x0;
	s0 =	rddreg [dreg:$0x2]  }
0x1ac: {  	s0 =	sadd.s32 @!p0 $0x100000, s0  }
0x1ad: {  	[sflag:s0] =	ssyncadd.tile.s32 @!p0 $0x1;
	_ =	shalt  }
.Lfunc_end2:
_tile_overlayer_lowered:
.L_overlay_start_2:
0x1ae: {  	(tag) =	ssettag $0x2  }
0x1af: {  	s0 =	rddreg [dreg:$0x0];
	s2 =	stileid.u32  }
0x1b0: {  	s1 =	rddreg [dreg:$0x1];
	p0 =	sne.s32 s2, $0x0  }
0x1b1: {  	s3 =	rddreg [dreg:$0x2];
	[bflag:$0x3] =	sbarrier.arrive $0xFFFF;
	s2 =	simm.s32 @!p0 $0x1C05  }
0x1b2: {  	[timem:s3], [sflag:s2] =	dma.local @!p0 [hbm:s0], s1  }
0x1b3: {  	s0 =	simm.s32 @!p0 $0x5  }
0x1b4: {  	_ =	swait.ge @!p0 [sflag:s0], s1  }
0x1b5: {  	s1 =	ssub.s32 @!p0 $0x0, s1;
	[sflag:s0] =	ssyncset.done @!p0 $0x0  }
0x1b6: {  	[sflag:s0] =	ssyncadd.s32 @!p0 s1  }
0x1b7: {  	[bflag:$0x3] =	sbarrier.arrive $0xFFFF  }
0x1b8: {  	_ =	shalt  }

</sc_bundles>
